<compile_context>
chip_gen: v7x
topology: tpu7x:2x2x1
jax: 0.10.2.dev20260603
libtpu: 0.0.44.dev20260713+nightly
codegen_flags: <defaults>
</compile_context>

<pallas_src>
import functools

import jax
import jax.numpy as jnp
from jax import lax
from jax.experimental import pallas as pl
from jax.experimental.pallas import tpu as pltpu
from jax.experimental.pallas import tpu_sc as plsc

_N = 10000
_E = 320000
_D = 128
_H = 128
_C = 4
_G = 32

_NP = 10240
_RPT = _NP // 16
_EPT1 = _E // 32
_EPT3 = _E // 16
_K3B = 80
_CH = 4000
_NCH = _EPT3 // _CH
_CB = _CH // _K3B
_NBLK = 8
_BLK = _NP // _NBLK

_HIGH = lax.Precision.HIGHEST


@functools.cache
def _mesh():
    return plsc.VectorSubcoreMesh(core_axis_name="c", subcore_axis_name="s",
                                  num_cores=2, num_subcores=16)



def _deg_body(dst_hbm, out_hbm, dstb, degl):
    c = lax.axis_index("c")
    s = lax.axis_index("s")
    w = s * 2 + c
    pltpu.sync_copy(dst_hbm.at[pl.ds(w * _EPT1, _EPT1)], dstb)

    def zero(i, carry):
        degl[pl.ds(i * 16, 16)] = jnp.zeros((16,), jnp.float32)
        return carry
    lax.fori_loop(0, _NP // 16, zero, 0)

    ones = jnp.ones((16,), jnp.float32)

    def acc(i, carry):
        idx = dstb[pl.ds(i * 16, 16)]
        plsc.addupdate_scatter(degl, [idx], ones)
        return carry
    lax.fori_loop(0, _EPT1 // 16, acc, 0)

    pltpu.sync_copy(degl, out_hbm.at[pl.ds(w * _NP, _NP)])


def _deg_call(dst):
    k = pl.kernel(
        _deg_body,
        out_type=jax.ShapeDtypeStruct((32 * _NP,), jnp.float32),
        mesh=_mesh(),
        scratch_types=[
            pltpu.VMEM((_EPT1,), jnp.int32),
            pltpu.VMEM((_NP,), jnp.float32),
        ],
        compiler_params=pltpu.CompilerParams(needs_layout_passes=False),
    )
    return k(dst).reshape(32, _NP)



def _mm_body(x_ref, w_ref, deg_ref, hs_ref):
    h = jnp.dot(x_ref[...], w_ref[...], preferred_element_type=jnp.float32,
                precision=_HIGH)
    deg = jnp.sum(deg_ref[...], axis=0) + 1.0
    dinv = lax.rsqrt(deg)[:, None]
    hs_ref[...] = h * dinv


def _mm_call(xp, wcat, deg):
    return pl.pallas_call(
        _mm_body,
        grid=(_NBLK, 2),
        in_specs=[
            pl.BlockSpec((_BLK, _D), lambda i, c: (i, 0)),
            pl.BlockSpec((_D, _H), lambda i, c: (0, c)),
            pl.BlockSpec((32, _BLK), lambda i, c: (0, i)),
        ],
        out_specs=pl.BlockSpec((_BLK, _D), lambda i, c: (c * _NBLK + i, 0)),
        out_shape=jax.ShapeDtypeStruct((2 * _NP, _D), jnp.float32),
    )(xp, wcat, deg)



def _edge_body(hs_hbm, src_hbm, dst4_hbm, out_hbm,
               srcb, dstb, rows0, rows1, sem0, sem1, ssem0, agg):
    c = lax.axis_index("c")
    s = lax.axis_index("s")

    pltpu.async_copy(hs_hbm.at[pl.ds(c * _NP + s * _RPT, _RPT)],
                     agg.at[pl.ds(s * _RPT, _RPT)], ssem0).wait()

    plsc.subcore_barrier()

    def gather_start(j, rows, sem):
        pltpu.async_copy(hs_hbm.at[srcb.at[pl.ds(j * _K3B, _K3B)]], rows, sem)

    def gather_wait(j, rows, sem):
        pltpu.make_async_copy(hs_hbm.at[srcb.at[pl.ds(j * _K3B, _K3B)]],
                              rows, sem).wait()

    def chunk(sc, carry):
        pltpu.sync_copy(
            src_hbm.at[pl.ds(c * _E + s * _EPT3 + sc * _CH, _CH)], srcb)
        pltpu.sync_copy(dst4_hbm.at[s * _NCH + sc], dstb)

        gather_start(0, rows0, sem0)

        def step(i, carry2):
            j0 = 2 * i
            gather_start(j0 + 1, rows1, sem1)
            gather_wait(j0, rows0, sem0)
            pltpu.sync_copy(rows0, agg.at[dstb.at[j0]], add=True)

            @pl.when(i + 1 < _CB // 2)
            def _():
                gather_start(j0 + 2, rows0, sem0)
            gather_wait(j0 + 1, rows1, sem1)
            pltpu.sync_copy(rows1, agg.at[dstb.at[j0 + 1]], add=True)
            return carry2
        lax.fori_loop(0, _CB // 2, step, 0)
        return carry
    lax.fori_loop(0, _NCH, chunk, 0)

    plsc.subcore_barrier()
    pltpu.sync_copy(agg.at[pl.ds(s * _RPT, _RPT)],
                    out_hbm.at[pl.ds(c * _NP + s * _RPT, _RPT)])


def _edge_call(hs, src, dst4):
    k = pl.kernel(
        _edge_body,
        out_type=jax.ShapeDtypeStruct((2 * _NP, _D), jnp.float32),
        mesh=_mesh(),
        scratch_types=[
            pltpu.VMEM((_CH,), jnp.int32),
            pltpu.VMEM((_CB, _K3B), jnp.int32),
            pltpu.VMEM((_K3B, _D), jnp.float32),
            pltpu.VMEM((_K3B, _D), jnp.float32),
            pltpu.SemaphoreType.DMA,
            pltpu.SemaphoreType.DMA,
            pltpu.SemaphoreType.DMA,
            pltpu.VMEM_SHARED((_NP, _D), jnp.float32),
        ],
    )
    return k(hs, src, dst4)



def _pool_body(a0_ref, a1_ref, deg_ref, b_ref, btd_ref, bbu_ref,
               fcw_ref, fcb_ref, out_ref, sums, cnts):
    i = pl.program_id(0)

    @pl.when(i == 0)
    def _():
        sums[...] = jnp.zeros_like(sums)
        cnts[...] = jnp.zeros_like(cnts)

    dv = lax.rsqrt(jnp.sum(deg_ref[...], axis=0) + 1.0)[:, None]
    td = a0_ref[...] * dv + btd_ref[...]
    bu = a1_ref[...] * dv + bbu_ref[...]
    feats = jnp.concatenate(
        [jnp.maximum(td, 0.0), td, jnp.maximum(bu, 0.0), bu], axis=1)
    gid = lax.broadcasted_iota(jnp.int32, (_G, 1), 0)
    m = (b_ref[0] == gid).astype(jnp.float32)
    sums[...] += lax.dot_general(m, feats, (((1,), (0,)), ((), ())),
                                 preferred_element_type=jnp.float32,
                                 precision=_HIGH)
    cnts[...] += jnp.broadcast_to(jnp.sum(m, axis=1, keepdims=True), (_G, 128))

    @pl.when(i == _NBLK - 1)
    def _():
        cnt = jnp.maximum(cnts[:, :1], 1.0)
        mean = sums[...] / cnt
        logits = jnp.dot(mean, fcw_ref[...], preferred_element_type=jnp.float32,
                         precision=_HIGH) + fcb_ref[...]
        mx = jnp.max(logits, axis=1, keepdims=True)
        lse = jnp.log(jnp.sum(jnp.exp(logits - mx), axis=1, keepdims=True)) + mx
        out_ref[...] = logits - lse


def _pool_call(agg2, deg, batch3, btd, bbu, fcw, fcb):
    return pl.pallas_call(
        _pool_body,
        grid=(_NBLK,),
        in_specs=[
            pl.BlockSpec((_BLK, _D), lambda i: (i, 0)),
            pl.BlockSpec((_BLK, _D), lambda i: (i + _NBLK, 0)),
            pl.BlockSpec((32, _BLK), lambda i: (0, i)),
            pl.BlockSpec((1, 1, _BLK), lambda i: (i, 0, 0)),
            pl.BlockSpec((1, _H), lambda i: (0, 0)),
            pl.BlockSpec((1, _H), lambda i: (0, 0)),
            pl.BlockSpec((4 * _H, _C), lambda i: (0, 0)),
            pl.BlockSpec((1, _C), lambda i: (0, 0)),
        ],
        out_specs=pl.BlockSpec((_G, _C), lambda i: (0, 0)),
        out_shape=jax.ShapeDtypeStruct((_G, _C), jnp.float32),
        scratch_shapes=[
            pltpu.VMEM((_G, 4 * _H), jnp.float32),
            pltpu.VMEM((_G, 128), jnp.float32),
        ],
    )(agg2, agg2, deg, batch3, btd, bbu, fcw, fcb)



def kernel(x, edge_index, batch, W_td, b_td, W_bu, b_bu, fc_W, fc_b):
    xp = jnp.zeros((_NP, _D), jnp.float32).at[:_N].set(x)
    wcat = jnp.concatenate([W_td, W_bu], axis=1)
    src = edge_index[0]
    dst = edge_index[1]
    src2 = jnp.concatenate([src, src + _NP])
    dst4 = dst.reshape(16 * _NCH, _CB, _K3B)
    batch3 = jnp.full((_NP,), _G, jnp.int32).at[:_N].set(batch)
    batch3 = batch3.reshape(_NBLK, 1, _BLK)

    deg = _deg_call(dst)
    hs = _mm_call(xp, wcat, deg)
    agg2 = _edge_call(hs, src2, dst4)
    return _pool_call(agg2, deg, batch3,
                      b_td.reshape(1, _H), b_bu.reshape(1, _H),
                      fc_W, fc_b.reshape(1, _C))

# --- scband reference (transcript-rebuilt; emitter-appended) ---
"""Pipeline reference for scband-bi-gcn-77850577207792 (READ-ONLY COPY).

The authoritative reference and input builder live on the scoring server;
editing this copy changes nothing except your own understanding.
"""

import jax, jax.numpy as jnp
import numpy as np

N = 10000
E = 320000
D = 128
H = 128
C = 4
G = 32


def gcn_conv(x, edge_index, W, b):
    # Faithful PyG GCNConv: linear transform, add self-loops, sym-normalized scatter-add, bias.
    n = x.shape[0]
    loop = jnp.arange(n, dtype=edge_index.dtype)
    src = jnp.concatenate([edge_index[0], loop])
    dst = jnp.concatenate([edge_index[1], loop])
    deg = jnp.zeros((n,), x.dtype).at[dst].add(1.0)
    dinv = jnp.where(deg > 0, deg ** -0.5, 0.0)
    norm = dinv[src] * dinv[dst]
    h = x @ W
    msg = h[src] * norm[:, None]
    out = jnp.zeros((n, W.shape[1]), x.dtype).at[dst].add(msg)
    return out + b


def setup_inputs(seed: int = 0) -> dict:
    key = jax.random.key(seed)
    ks = jax.random.split(key, 9)
    x = jax.random.normal(ks[0], (N, D), dtype=jnp.float32)
    edge_index = jax.random.randint(ks[1], (2, E), 0, N, dtype=jnp.int32)
    batch = jnp.sort(jax.random.randint(ks[2], (N,), 0, G, dtype=jnp.int32))
    s_in = 1.0 / np.sqrt(D)
    s_fc = 1.0 / np.sqrt(4 * H)
    W_td = jax.random.uniform(ks[3], (D, H), jnp.float32, -s_in, s_in)
    b_td = jax.random.uniform(ks[4], (H,), jnp.float32, -s_in, s_in)
    W_bu = jax.random.uniform(ks[5], (D, H), jnp.float32, -s_in, s_in)
    b_bu = jax.random.uniform(ks[6], (H,), jnp.float32, -s_in, s_in)
    fc_W = jax.random.uniform(ks[7], (4 * H, C), jnp.float32, -s_fc, s_fc)
    fc_b = jax.random.uniform(ks[8], (C,), jnp.float32, -s_fc, s_fc)
    return {"x": x, "edge_index": edge_index, "batch": batch,
            "W_td": W_td, "b_td": b_td, "W_bu": W_bu, "b_bu": b_bu,
            "fc_W": fc_W, "fc_b": fc_b}


def reference(x, edge_index, batch, W_td, b_td, W_bu, b_bu, fc_W, fc_b):
    td = gcn_conv(x, edge_index, W_td, b_td)
    td_cat = jnp.concatenate([jax.nn.relu(td), td], axis=1)
    bu = gcn_conv(x, edge_index, W_bu, b_bu)
    bu_cat = jnp.concatenate([jax.nn.relu(bu), bu], axis=1)
    feats = jnp.concatenate([td_cat, bu_cat], axis=1)
    sums = jax.ops.segment_sum(feats, batch, num_segments=G)
    counts = jax.ops.segment_sum(jnp.ones((feats.shape[0],), feats.dtype), batch, num_segments=G)
    mean = sums / jnp.clip(counts, 1.0, None)[:, None]
    logits = mean @ fc_W + fc_b
    return jax.nn.log_softmax(logits, axis=1)

if __name__ == "__main__":
    import jax
    _d = setup_inputs()
    print(jax.jit(kernel)(*tuple(_d.values())))

</pallas_src>

<mosaic_0001>
#map = affine_map<(d0, d1) -> (0)>
module attributes {stable_mosaic.version = 14 : i64} {
  func.func @_deg_body(%arg0: i32, %arg1: i32, %arg2: memref<320000xi32, #tpu.memory_space<hbm>>, %arg3: memref<327680xf32, #tpu.memory_space<hbm>>, %arg4: memref<10000xi32, #tpu.memory_space<vmem>>, %arg5: memref<10240xf32, #tpu.memory_space<vmem>>) attributes {dimension_semantics = [#tpu.dimension_semantics<core_parallel>, #tpu.dimension_semantics<subcore_parallel>], iteration_bounds = array<i64: 2, 16>, scalar_prefetch = 0 : i64, scratch_operands = 2 : i64, tpu.core_type = #tpu.core_type<sc_vector_subcore>, window_params = [{transform_indices = #map}, {transform_indices = #map}]} {
    %mul3A = arith.constant 2 : i32
    %mul3A_0 = arith.muli %arg1, %mul3A : i32
    %add3A = arith.addi %mul3A_0, %arg0 : i32
    %mul3A_1 = arith.constant 10000 : i32
    %mul3A_2 = arith.muli %add3A, %mul3A_1 : i32
    "tpu.region"() ({
      %run_scoped3A = tpu.sem_alloc : memref<!tpu.dma_semaphore, #tpu.memory_space<semaphore_mem>>
      %dma_start3A = tpu.memref_slice %arg2[%mul3A_2] : memref<320000xi32, #tpu.memory_space<hbm>> -> memref<10000xi32, #tpu.memory_space<hbm>>
      %dma_start3A_17 = tpu.memref_slice %arg2[%mul3A_2] : memref<320000xi32, #tpu.memory_space<hbm>> -> memref<10000xi32, #tpu.memory_space<hbm>>
      tpu.enqueue_dma source(%dma_start3A_17 : memref<10000xi32, #tpu.memory_space<hbm>>) target(%arg4 : memref<10000xi32, #tpu.memory_space<vmem>>) target_semaphore(%run_scoped3A : memref<!tpu.dma_semaphore, #tpu.memory_space<semaphore_mem>>)
      %dma_wait3A = tpu.memref_slice %arg2[%mul3A_2] : memref<320000xi32, #tpu.memory_space<hbm>> -> memref<10000xi32, #tpu.memory_space<hbm>>
      %dma_wait3A_18 = tpu.memref_slice %arg2[%mul3A_2] : memref<320000xi32, #tpu.memory_space<hbm>> -> memref<10000xi32, #tpu.memory_space<hbm>>
      tpu.wait_dma2 semaphore(%run_scoped3A : memref<!tpu.dma_semaphore, #tpu.memory_space<semaphore_mem>>) src(%dma_wait3A_18 : memref<10000xi32, #tpu.memory_space<hbm>>) dst(%arg4 : memref<10000xi32, #tpu.memory_space<vmem>>)
      tpu.yield
    }) : () -> ()
    %scan3A = arith.constant 0 : i32
    %scan3A_3 = arith.constant 0 : i32
    %scan3A_4 = arith.constant 640 : i32
    %scan3A_5 = arith.addi %scan3A_3, %scan3A_4 : i32
    %scan3A_6 = arith.constant 1 : i32
    scf.for %scan3A_17 = %scan3A_3 to %scan3A_5 step %scan3A_6  : i32 {
      %broadcast_in_dim3A_18 = arith.constant 0.000000e+00 : f32
      %broadcast_in_dim3A_19 = vector.broadcast %broadcast_in_dim3A_18 : f32 to vector<16xf32>
      %mul3A_20 = arith.constant 16 : i32
      %mul3A_21 = arith.muli %scan3A_17, %mul3A_20 : i32
      %swap3A = arith.index_cast %mul3A_21 : i32 to index
      %swap3A_22 = tpu.vector_load %arg5[%swap3A] {strides = array<i32>} : memref<10240xf32, #tpu.memory_space<vmem>>, vector<16xf32>,
      tpu.vector_store %arg5[%swap3A], %broadcast_in_dim3A_19 {strides = array<i32>} : memref<10240xf32, #tpu.memory_space<vmem>>, vector<16xf32>,
    }
    %scan3A_7 = arith.constant 640 : i32
    %broadcast_in_dim3A = arith.constant 1.000000e+00 : f32
    %broadcast_in_dim3A_8 = vector.broadcast %broadcast_in_dim3A : f32 to vector<16xf32>
    %scan3A_9 = arith.constant 0 : i32
    %scan3A_10 = arith.constant 0 : i32
    %scan3A_11 = arith.constant 625 : i32
    %scan3A_12 = arith.addi %scan3A_10, %scan3A_11 : i32
    %scan3A_13 = arith.constant 1 : i32
    scf.for %scan3A_17 = %scan3A_10 to %scan3A_12 step %scan3A_13  : i32 {
      %mul3A_18 = arith.constant 16 : i32
      %mul3A_19 = arith.muli %scan3A_17, %mul3A_18 : i32
      %get3A = arith.index_cast %mul3A_19 : i32 to index
      %get3A_20 = tpu.vector_load %arg4[%get3A] {strides = array<i32>} : memref<10000xi32, #tpu.memory_space<vmem>>, vector<16xi32>,
      tpu.vector_store_idx %arg5[%get3A_20], %broadcast_in_dim3A_8 {add = true} : memref<10240xf32, #tpu.memory_space<vmem>>[vector<16xi32>], vector<16xf32>,
    }
    %scan3A_14 = arith.constant 625 : i32
    %mul3A_15 = arith.constant 10240 : i32
    %mul3A_16 = arith.muli %add3A, %mul3A_15 : i32
    "tpu.region"() ({
      %run_scoped3A = tpu.sem_alloc : memref<!tpu.dma_semaphore, #tpu.memory_space<semaphore_mem>>
      %dma_start3A = tpu.memref_slice %arg3[%mul3A_16] : memref<327680xf32, #tpu.memory_space<hbm>> -> memref<10240xf32, #tpu.memory_space<hbm>>
      %dma_start3A_17 = tpu.memref_slice %arg3[%mul3A_16] : memref<327680xf32, #tpu.memory_space<hbm>> -> memref<10240xf32, #tpu.memory_space<hbm>>
      tpu.enqueue_dma source(%arg5 : memref<10240xf32, #tpu.memory_space<vmem>>) target(%dma_start3A_17 : memref<10240xf32, #tpu.memory_space<hbm>>) target_semaphore(%run_scoped3A : memref<!tpu.dma_semaphore, #tpu.memory_space<semaphore_mem>>)
      %dma_wait3A = tpu.memref_slice %arg3[%mul3A_16] : memref<327680xf32, #tpu.memory_space<hbm>> -> memref<10240xf32, #tpu.memory_space<hbm>>
      %dma_wait3A_18 = tpu.memref_slice %arg3[%mul3A_16] : memref<327680xf32, #tpu.memory_space<hbm>> -> memref<10240xf32, #tpu.memory_space<hbm>>
      tpu.wait_dma2 semaphore(%run_scoped3A : memref<!tpu.dma_semaphore, #tpu.memory_space<semaphore_mem>>) src(%arg5 : memref<10240xf32, #tpu.memory_space<vmem>>) dst(%dma_wait3A_18 : memref<10240xf32, #tpu.memory_space<hbm>>)
      tpu.yield
    }) : () -> ()
    return
  }
}

#map = affine_map<(d0, d1) -> (0, 0)>
#map1 = affine_map<(d0, d1) -> (0)>
#map2 = affine_map<(d0, d1) -> (0, 0, 0)>
module attributes {stable_mosaic.version = 14 : i64} {
  func.func @_edge_body(%arg0: i32, %arg1: i32, %arg2: memref<20480x128xf32, #tpu.memory_space<hbm>>, %arg3: memref<640000xi32, #tpu.memory_space<hbm>>, %arg4: memref<80x50x80xi32, #tpu.memory_space<hbm>>, %arg5: memref<20480x128xf32, #tpu.memory_space<hbm>>, %arg6: memref<4000xi32, #tpu.memory_space<vmem>>, %arg7: memref<50x80xi32, #tpu.memory_space<vmem>>, %arg8: memref<80x128xf32, #tpu.memory_space<vmem>>, %arg9: memref<80x128xf32, #tpu.memory_space<vmem>>, %arg10: memref<!tpu.dma_semaphore, #tpu.memory_space<semaphore_mem>>, %arg11: memref<!tpu.dma_semaphore, #tpu.memory_space<semaphore_mem>>, %arg12: memref<!tpu.dma_semaphore, #tpu.memory_space<semaphore_mem>>, %arg13: memref<10240x128xf32, #tpu.memory_space<vmem_shared>>) attributes {dimension_semantics = [#tpu.dimension_semantics<core_parallel>, #tpu.dimension_semantics<subcore_parallel>], iteration_bounds = array<i64: 2, 16>, scalar_prefetch = 0 : i64, scratch_operands = 8 : i64, tpu.core_type = #tpu.core_type<sc_vector_subcore>, window_params = [{transform_indices = #map}, {transform_indices = #map1}, {transform_indices = #map2}, {transform_indices = #map}]} {
    %mul3A = arith.constant 10240 : i32
    %mul3A_0 = arith.muli %arg0, %mul3A : i32
    %mul3A_1 = arith.constant 640 : i32
    %mul3A_2 = arith.muli %arg1, %mul3A_1 : i32
    %add3A = arith.addi %mul3A_0, %mul3A_2 : i32
    %mul3A_3 = arith.constant 640 : i32
    %mul3A_4 = arith.muli %arg1, %mul3A_3 : i32
    %dma_start3A = arith.constant 0 : i32
    %dma_start3A_5 = tpu.memref_slice %arg13[%mul3A_4, %dma_start3A] : memref<10240x128xf32, #tpu.memory_space<vmem_shared>> -> memref<640x128xf32, #tpu.memory_space<vmem_shared>>
    %dma_start3A_6 = arith.constant 0 : i32
    %dma_start3A_7 = tpu.memref_slice %arg2[%add3A, %dma_start3A_6] : memref<20480x128xf32, #tpu.memory_space<hbm>> -> memref<640x128xf32, #tpu.memory_space<hbm>>
    tpu.enqueue_dma source(%dma_start3A_7 : memref<640x128xf32, #tpu.memory_space<hbm>>) target(%dma_start3A_5 : memref<640x128xf32, #tpu.memory_space<vmem_shared>>) target_semaphore(%arg12 : memref<!tpu.dma_semaphore, #tpu.memory_space<semaphore_mem>>)
    %dma_wait3A = arith.constant 0 : i32
    %dma_wait3A_8 = tpu.memref_slice %arg13[%mul3A_4, %dma_wait3A] : memref<10240x128xf32, #tpu.memory_space<vmem_shared>> -> memref<640x128xf32, #tpu.memory_space<vmem_shared>>
    %dma_wait3A_9 = arith.constant 0 : i32
    %dma_wait3A_10 = tpu.memref_slice %arg2[%add3A, %dma_wait3A_9] : memref<20480x128xf32, #tpu.memory_space<hbm>> -> memref<640x128xf32, #tpu.memory_space<hbm>>
    tpu.wait_dma2 semaphore(%arg12 : memref<!tpu.dma_semaphore, #tpu.memory_space<semaphore_mem>>) src(%dma_wait3A_10 : memref<640x128xf32, #tpu.memory_space<hbm>>) dst(%dma_wait3A_8 : memref<640x128xf32, #tpu.memory_space<vmem_shared>>)
    %barrier3A = arith.constant 0 : index
    tpu.barrier barrier_id(%barrier3A)
    %scan3A = arith.constant 0 : i32
    %scan3A_11 = arith.constant 0 : i32
    %scan3A_12 = arith.constant 5 : i32
    %scan3A_13 = arith.addi %scan3A_11, %scan3A_12 : i32
    %scan3A_14 = arith.constant 1 : i32
    scf.for %scan3A_24 = %scan3A_11 to %scan3A_13 step %scan3A_14  : i32 {
      %mul3A_25 = arith.constant 320000 : i32
      %mul3A_26 = arith.muli %arg0, %mul3A_25 : i32
      %mul3A_27 = arith.constant 20000 : i32
      %mul3A_28 = arith.muli %arg1, %mul3A_27 : i32
      %add3A_29 = arith.addi %mul3A_26, %mul3A_28 : i32
      %mul3A_30 = arith.constant 4000 : i32
      %mul3A_31 = arith.muli %scan3A_24, %mul3A_30 : i32
      %add3A_32 = arith.addi %add3A_29, %mul3A_31 : i32
      "tpu.region"() ({
        %run_scoped3A = tpu.sem_alloc : memref<!tpu.dma_semaphore, #tpu.memory_space<semaphore_mem>>
        %dma_start3A_47 = tpu.memref_slice %arg3[%add3A_32] : memref<640000xi32, #tpu.memory_space<hbm>> -> memref<4000xi32, #tpu.memory_space<hbm>>
        %dma_start3A_48 = tpu.memref_slice %arg3[%add3A_32] : memref<640000xi32, #tpu.memory_space<hbm>> -> memref<4000xi32, #tpu.memory_space<hbm>>
        tpu.enqueue_dma source(%dma_start3A_48 : memref<4000xi32, #tpu.memory_space<hbm>>) target(%arg6 : memref<4000xi32, #tpu.memory_space<vmem>>) target_semaphore(%run_scoped3A : memref<!tpu.dma_semaphore, #tpu.memory_space<semaphore_mem>>)
        %dma_wait3A_49 = tpu.memref_slice %arg3[%add3A_32] : memref<640000xi32, #tpu.memory_space<hbm>> -> memref<4000xi32, #tpu.memory_space<hbm>>
        %dma_wait3A_50 = tpu.memref_slice %arg3[%add3A_32] : memref<640000xi32, #tpu.memory_space<hbm>> -> memref<4000xi32, #tpu.memory_space<hbm>>
        tpu.wait_dma2 semaphore(%run_scoped3A : memref<!tpu.dma_semaphore, #tpu.memory_space<semaphore_mem>>) src(%dma_wait3A_50 : memref<4000xi32, #tpu.memory_space<hbm>>) dst(%arg6 : memref<4000xi32, #tpu.memory_space<vmem>>)
        tpu.yield
      }) : () -> ()
      %mul3A_33 = arith.constant 5 : i32
      %mul3A_34 = arith.muli %arg1, %mul3A_33 : i32
      %add3A_35 = arith.addi %mul3A_34, %scan3A_24 : i32
      "tpu.region"() ({
        %run_scoped3A = tpu.sem_alloc : memref<!tpu.dma_semaphore, #tpu.memory_space<semaphore_mem>>
        %dma_start3A_47 = arith.constant 0 : i32
        %dma_start3A_48 = arith.constant 0 : i32
        %dma_start3A_49 = tpu.memref_slice %arg4[%add3A_35, %dma_start3A_47, %dma_start3A_48] : memref<80x50x80xi32, #tpu.memory_space<hbm>> -> memref<1x50x80xi32, #tpu.memory_space<hbm>>
        %dma_start3A_50 = tpu.memref_squeeze %dma_start3A_49 : memref<1x50x80xi32, #tpu.memory_space<hbm>> -> memref<50x80xi32, #tpu.memory_space<hbm>>
        %dma_start3A_51 = arith.constant 0 : i32
        %dma_start3A_52 = arith.constant 0 : i32
        %dma_start3A_53 = tpu.memref_slice %arg4[%add3A_35, %dma_start3A_51, %dma_start3A_52] : memref<80x50x80xi32, #tpu.memory_space<hbm>> -> memref<1x50x80xi32, #tpu.memory_space<hbm>>
        %dma_start3A_54 = tpu.memref_squeeze %dma_start3A_53 : memref<1x50x80xi32, #tpu.memory_space<hbm>> -> memref<50x80xi32, #tpu.memory_space<hbm>>
        tpu.enqueue_dma source(%dma_start3A_54 : memref<50x80xi32, #tpu.memory_space<hbm>>) target(%arg7 : memref<50x80xi32, #tpu.memory_space<vmem>>) target_semaphore(%run_scoped3A : memref<!tpu.dma_semaphore, #tpu.memory_space<semaphore_mem>>)
        %dma_wait3A_55 = arith.constant 0 : i32
        %dma_wait3A_56 = arith.constant 0 : i32
        %dma_wait3A_57 = tpu.memref_slice %arg4[%add3A_35, %dma_wait3A_55, %dma_wait3A_56] : memref<80x50x80xi32, #tpu.memory_space<hbm>> -> memref<1x50x80xi32, #tpu.memory_space<hbm>>
        %dma_wait3A_58 = tpu.memref_squeeze %dma_wait3A_57 : memref<1x50x80xi32, #tpu.memory_space<hbm>> -> memref<50x80xi32, #tpu.memory_space<hbm>>
        %dma_wait3A_59 = arith.constant 0 : i32
        %dma_wait3A_60 = arith.constant 0 : i32
        %dma_wait3A_61 = tpu.memref_slice %arg4[%add3A_35, %dma_wait3A_59, %dma_wait3A_60] : memref<80x50x80xi32, #tpu.memory_space<hbm>> -> memref<1x50x80xi32, #tpu.memory_space<hbm>>
        %dma_wait3A_62 = tpu.memref_squeeze %dma_wait3A_61 : memref<1x50x80xi32, #tpu.memory_space<hbm>> -> memref<50x80xi32, #tpu.memory_space<hbm>>
        tpu.wait_dma2 semaphore(%run_scoped3A : memref<!tpu.dma_semaphore, #tpu.memory_space<semaphore_mem>>) src(%dma_wait3A_62 : memref<50x80xi32, #tpu.memory_space<hbm>>) dst(%arg7 : memref<50x80xi32, #tpu.memory_space<vmem>>)
        tpu.yield
      }) : () -> ()
      %dma_start3A_36 = arith.constant 0 : i32
      %dma_start3A_37 = tpu.memref_slice %arg6[%dma_start3A_36] : memref<4000xi32, #tpu.memory_space<vmem>> -> memref<80xi32, #tpu.memory_space<vmem>>
      %dma_start3A_38 = arith.constant 0 : i32
      %dma_start3A_39 = arith.constant 0 : i32
      %dma_start3A_40 = tpu.memref_slice %arg2[%dma_start3A_38, %dma_start3A_39] : memref<20480x128xf32, #tpu.memory_space<hbm>> -> memref<20480x128xf32, #tpu.memory_space<hbm>>
      tpu.enqueue_indirect_dma source(%dma_start3A_40 : memref<20480x128xf32, #tpu.memory_space<hbm>>) target(%arg8 : memref<80x128xf32, #tpu.memory_space<vmem>>) offsets(%dma_start3A_37 : memref<80xi32, #tpu.memory_space<vmem>>) semaphore(%arg10 : memref<!tpu.dma_semaphore, #tpu.memory_space<semaphore_mem>>)
      %scan3A_41 = arith.constant 0 : i32
      %scan3A_42 = arith.constant 0 : i32
      %scan3A_43 = arith.constant 25 : i32
      %scan3A_44 = arith.addi %scan3A_42, %scan3A_43 : i32
      %scan3A_45 = arith.constant 1 : i32
      scf.for %scan3A_47 = %scan3A_42 to %scan3A_44 step %scan3A_45  : i32 {
        %mul3A_48 = arith.constant 2 : i32
        %mul3A_49 = arith.muli %mul3A_48, %scan3A_47 : i32
        %add3A_50 = arith.constant 1 : i32
        %add3A_51 = arith.addi %mul3A_49, %add3A_50 : i32
        %mul3A_52 = arith.constant 80 : i32
        %mul3A_53 = arith.muli %add3A_51, %mul3A_52 : i32
        %dma_start3A_54 = tpu.memref_slice %arg6[%mul3A_53] : memref<4000xi32, #tpu.memory_space<vmem>> -> memref<80xi32, #tpu.memory_space<vmem>>
        %dma_start3A_55 = arith.constant 0 : i32
        %dma_start3A_56 = arith.constant 0 : i32
        %dma_start3A_57 = tpu.memref_slice %arg2[%dma_start3A_55, %dma_start3A_56] : memref<20480x128xf32, #tpu.memory_space<hbm>> -> memref<20480x128xf32, #tpu.memory_space<hbm>>
        tpu.enqueue_indirect_dma source(%dma_start3A_57 : memref<20480x128xf32, #tpu.memory_space<hbm>>) target(%arg9 : memref<80x128xf32, #tpu.memory_space<vmem>>) offsets(%dma_start3A_54 : memref<80xi32, #tpu.memory_space<vmem>>) semaphore(%arg11 : memref<!tpu.dma_semaphore, #tpu.memory_space<semaphore_mem>>)
        %mul3A_58 = arith.constant 80 : i32
        %mul3A_59 = arith.muli %mul3A_49, %mul3A_58 : i32
        %dma_wait3A_60 = tpu.memref_slice %arg6[%mul3A_59] : memref<4000xi32, #tpu.memory_space<vmem>> -> memref<80xi32, #tpu.memory_space<vmem>>
        %dma_wait3A_61 = arith.constant 0 : i32
        %dma_wait3A_62 = arith.constant 0 : i32
        %dma_wait3A_63 = tpu.memref_slice %arg2[%dma_wait3A_61, %dma_wait3A_62] : memref<20480x128xf32, #tpu.memory_space<hbm>> -> memref<20480x128xf32, #tpu.memory_space<hbm>>
        tpu.wait_indirect_dma semaphore(%arg10 : memref<!tpu.dma_semaphore, #tpu.memory_space<semaphore_mem>>) src(%dma_wait3A_63 : memref<20480x128xf32, #tpu.memory_space<hbm>>) dst(%arg8 : memref<80x128xf32, #tpu.memory_space<vmem>>)
        "tpu.region"() ({
          %run_scoped3A = tpu.sem_alloc : memref<!tpu.dma_semaphore, #tpu.memory_space<semaphore_mem>>
          %dma_start3A_78 = arith.constant 0 : i32
          %dma_start3A_79 = tpu.memref_slice %arg7[%mul3A_49, %dma_start3A_78] : memref<50x80xi32, #tpu.memory_space<vmem>> -> memref<1x80xi32, #tpu.memory_space<vmem>>
          %dma_start3A_80 = tpu.memref_squeeze %dma_start3A_79 : memref<1x80xi32, #tpu.memory_space<vmem>> -> memref<80xi32, #tpu.memory_space<vmem>>
          %dma_start3A_81 = arith.constant 0 : i32
          %dma_start3A_82 = arith.constant 0 : i32
          %dma_start3A_83 = tpu.memref_slice %arg13[%dma_start3A_81, %dma_start3A_82] : memref<10240x128xf32, #tpu.memory_space<vmem_shared>> -> memref<10240x128xf32, #tpu.memory_space<vmem_shared>>
          tpu.enqueue_indirect_dma source(%arg8 : memref<80x128xf32, #tpu.memory_space<vmem>>) target(%dma_start3A_83 : memref<10240x128xf32, #tpu.memory_space<vmem_shared>>) offsets(%dma_start3A_80 : memref<80xi32, #tpu.memory_space<vmem>>) semaphore(%run_scoped3A : memref<!tpu.dma_semaphore, #tpu.memory_space<semaphore_mem>>) {add = true}
          %dma_wait3A_84 = arith.constant 0 : i32
          %dma_wait3A_85 = tpu.memref_slice %arg7[%mul3A_49, %dma_wait3A_84] : memref<50x80xi32, #tpu.memory_space<vmem>> -> memref<1x80xi32, #tpu.memory_space<vmem>>
          %dma_wait3A_86 = tpu.memref_squeeze %dma_wait3A_85 : memref<1x80xi32, #tpu.memory_space<vmem>> -> memref<80xi32, #tpu.memory_space<vmem>>
          %dma_wait3A_87 = arith.constant 0 : i32
          %dma_wait3A_88 = arith.constant 0 : i32
          %dma_wait3A_89 = tpu.memref_slice %arg13[%dma_wait3A_87, %dma_wait3A_88] : memref<10240x128xf32, #tpu.memory_space<vmem_shared>> -> memref<10240x128xf32, #tpu.memory_space<vmem_shared>>
          tpu.wait_indirect_dma semaphore(%run_scoped3A : memref<!tpu.dma_semaphore, #tpu.memory_space<semaphore_mem>>) src(%arg8 : memref<80x128xf32, #tpu.memory_space<vmem>>) dst(%dma_wait3A_89 : memref<10240x128xf32, #tpu.memory_space<vmem_shared>>)
          tpu.yield
        }) : () -> ()
        %add3A_64 = arith.constant 1 : i32
        %add3A_65 = arith.addi %scan3A_47, %add3A_64 : i32
        %lt3A = arith.constant 25 : i32
        %lt3A_66 = arith.cmpi slt, %add3A_65, %lt3A : i32
        %convert_element_type3A = arith.extui %lt3A_66 : i1 to i32
        %cond3A = arith.constant 0 : i32
        %cond3A_67 = arith.cmpi ne, %convert_element_type3A, %cond3A : i32
        scf.if %cond3A_67 {
          %add3A_78 = arith.constant 2 : i32
          %add3A_79 = arith.addi %mul3A_49, %add3A_78 : i32
          %mul3A_80 = arith.constant 80 : i32
          %mul3A_81 = arith.muli %add3A_79, %mul3A_80 : i32
          %dma_start3A_82 = tpu.memref_slice %arg6[%mul3A_81] : memref<4000xi32, #tpu.memory_space<vmem>> -> memref<80xi32, #tpu.memory_space<vmem>>
          %dma_start3A_83 = arith.constant 0 : i32
          %dma_start3A_84 = arith.constant 0 : i32
          %dma_start3A_85 = tpu.memref_slice %arg2[%dma_start3A_83, %dma_start3A_84] : memref<20480x128xf32, #tpu.memory_space<hbm>> -> memref<20480x128xf32, #tpu.memory_space<hbm>>
          tpu.enqueue_indirect_dma source(%dma_start3A_85 : memref<20480x128xf32, #tpu.memory_space<hbm>>) target(%arg8 : memref<80x128xf32, #tpu.memory_space<vmem>>) offsets(%dma_start3A_82 : memref<80xi32, #tpu.memory_space<vmem>>) semaphore(%arg10 : memref<!tpu.dma_semaphore, #tpu.memory_space<semaphore_mem>>)
        } else {
        }
        %add3A_68 = arith.constant 1 : i32
        %add3A_69 = arith.addi %mul3A_49, %add3A_68 : i32
        %mul3A_70 = arith.constant 80 : i32
        %mul3A_71 = arith.muli %add3A_69, %mul3A_70 : i32
        %dma_wait3A_72 = tpu.memref_slice %arg6[%mul3A_71] : memref<4000xi32, #tpu.memory_space<vmem>> -> memref<80xi32, #tpu.memory_space<vmem>>
        %dma_wait3A_73 = arith.constant 0 : i32
        %dma_wait3A_74 = arith.constant 0 : i32
        %dma_wait3A_75 = tpu.memref_slice %arg2[%dma_wait3A_73, %dma_wait3A_74] : memref<20480x128xf32, #tpu.memory_space<hbm>> -> memref<20480x128xf32, #tpu.memory_space<hbm>>
        tpu.wait_indirect_dma semaphore(%arg11 : memref<!tpu.dma_semaphore, #tpu.memory_space<semaphore_mem>>) src(%dma_wait3A_75 : memref<20480x128xf32, #tpu.memory_space<hbm>>) dst(%arg9 : memref<80x128xf32, #tpu.memory_space<vmem>>)
        %add3A_76 = arith.constant 1 : i32
        %add3A_77 = arith.addi %mul3A_49, %add3A_76 : i32
        "tpu.region"() ({
          %run_scoped3A = tpu.sem_alloc : memref<!tpu.dma_semaphore, #tpu.memory_space<semaphore_mem>>
          %dma_start3A_78 = arith.constant 0 : i32
          %dma_start3A_79 = tpu.memref_slice %arg7[%add3A_77, %dma_start3A_78] : memref<50x80xi32, #tpu.memory_space<vmem>> -> memref<1x80xi32, #tpu.memory_space<vmem>>
          %dma_start3A_80 = tpu.memref_squeeze %dma_start3A_79 : memref<1x80xi32, #tpu.memory_space<vmem>> -> memref<80xi32, #tpu.memory_space<vmem>>
          %dma_start3A_81 = arith.constant 0 : i32
          %dma_start3A_82 = arith.constant 0 : i32
          %dma_start3A_83 = tpu.memref_slice %arg13[%dma_start3A_81, %dma_start3A_82] : memref<10240x128xf32, #tpu.memory_space<vmem_shared>> -> memref<10240x128xf32, #tpu.memory_space<vmem_shared>>
          tpu.enqueue_indirect_dma source(%arg9 : memref<80x128xf32, #tpu.memory_space<vmem>>) target(%dma_start3A_83 : memref<10240x128xf32, #tpu.memory_space<vmem_shared>>) offsets(%dma_start3A_80 : memref<80xi32, #tpu.memory_space<vmem>>) semaphore(%run_scoped3A : memref<!tpu.dma_semaphore, #tpu.memory_space<semaphore_mem>>) {add = true}
          %dma_wait3A_84 = arith.constant 0 : i32
          %dma_wait3A_85 = tpu.memref_slice %arg7[%add3A_77, %dma_wait3A_84] : memref<50x80xi32, #tpu.memory_space<vmem>> -> memref<1x80xi32, #tpu.memory_space<vmem>>
          %dma_wait3A_86 = tpu.memref_squeeze %dma_wait3A_85 : memref<1x80xi32, #tpu.memory_space<vmem>> -> memref<80xi32, #tpu.memory_space<vmem>>
          %dma_wait3A_87 = arith.constant 0 : i32
          %dma_wait3A_88 = arith.constant 0 : i32
          %dma_wait3A_89 = tpu.memref_slice %arg13[%dma_wait3A_87, %dma_wait3A_88] : memref<10240x128xf32, #tpu.memory_space<vmem_shared>> -> memref<10240x128xf32, #tpu.memory_space<vmem_shared>>
          tpu.wait_indirect_dma semaphore(%run_scoped3A : memref<!tpu.dma_semaphore, #tpu.memory_space<semaphore_mem>>) src(%arg9 : memref<80x128xf32, #tpu.memory_space<vmem>>) dst(%dma_wait3A_89 : memref<10240x128xf32, #tpu.memory_space<vmem_shared>>)
          tpu.yield
        }) : () -> ()
      }
      %scan3A_46 = arith.constant 25 : i32
    }
    %scan3A_15 = arith.constant 5 : i32
    %barrier3A_16 = arith.constant 0 : index
    tpu.barrier barrier_id(%barrier3A_16)
    %mul3A_17 = arith.constant 640 : i32
    %mul3A_18 = arith.muli %arg1, %mul3A_17 : i32
    %mul3A_19 = arith.constant 10240 : i32
    %mul3A_20 = arith.muli %arg0, %mul3A_19 : i32
    %mul3A_21 = arith.constant 640 : i32
    %mul3A_22 = arith.muli %arg1, %mul3A_21 : i32
    %add3A_23 = arith.addi %mul3A_20, %mul3A_22 : i32
    "tpu.region"() ({
      %run_scoped3A = tpu.sem_alloc : memref<!tpu.dma_semaphore, #tpu.memory_space<semaphore_mem>>
      %dma_start3A_24 = arith.constant 0 : i32
      %dma_start3A_25 = tpu.memref_slice %arg5[%add3A_23, %dma_start3A_24] : memref<20480x128xf32, #tpu.memory_space<hbm>> -> memref<640x128xf32, #tpu.memory_space<hbm>>
      %dma_start3A_26 = arith.constant 0 : i32
      %dma_start3A_27 = tpu.memref_slice %arg13[%mul3A_18, %dma_start3A_26] : memref<10240x128xf32, #tpu.memory_space<vmem_shared>> -> memref<640x128xf32, #tpu.memory_space<vmem_shared>>
      tpu.enqueue_dma source(%dma_start3A_27 : memref<640x128xf32, #tpu.memory_space<vmem_shared>>) target(%dma_start3A_25 : memref<640x128xf32, #tpu.memory_space<hbm>>) target_semaphore(%run_scoped3A : memref<!tpu.dma_semaphore, #tpu.memory_space<semaphore_mem>>)
      %dma_wait3A_28 = arith.constant 0 : i32
      %dma_wait3A_29 = tpu.memref_slice %arg5[%add3A_23, %dma_wait3A_28] : memref<20480x128xf32, #tpu.memory_space<hbm>> -> memref<640x128xf32, #tpu.memory_space<hbm>>
      %dma_wait3A_30 = arith.constant 0 : i32
      %dma_wait3A_31 = tpu.memref_slice %arg13[%mul3A_18, %dma_wait3A_30] : memref<10240x128xf32, #tpu.memory_space<vmem_shared>> -> memref<640x128xf32, #tpu.memory_space<vmem_shared>>
      tpu.wait_dma2 semaphore(%run_scoped3A : memref<!tpu.dma_semaphore, #tpu.memory_space<semaphore_mem>>) src(%dma_wait3A_31 : memref<640x128xf32, #tpu.memory_space<vmem_shared>>) dst(%dma_wait3A_29 : memref<640x128xf32, #tpu.memory_space<hbm>>)
      tpu.yield
    }) : () -> ()
    return
  }
}

module attributes {stable_mosaic.version = 14 : i64} {
  func.func @_mm_body(%arg0: i32, %arg1: i32, %arg2: memref<1280x128xf32, #tpu.memory_space<vmem>>, %arg3: memref<128x128xf32, #tpu.memory_space<vmem>>, %arg4: memref<32x1280xf32, #tpu.memory_space<vmem>>, %arg5: memref<1280x128xf32, #tpu.memory_space<vmem>>) attributes {dimension_semantics = [#tpu.dimension_semantics<arbitrary>, #tpu.dimension_semantics<arbitrary>], iteration_bounds = array<i64: 8, 2>, scalar_prefetch = 0 : i64, scratch_operands = 0 : i64, tpu.core_type = #tpu.core_type<tc>, window_params = [{transform_indices = @transform_0, window_bounds = array<i64: 1280, 128>}, {transform_indices = @transform_1, window_bounds = array<i64: 128, 128>}, {transform_indices = @transform_2, window_bounds = array<i64: 32, 1280>}, {transform_indices = @transform_3, window_bounds = array<i64: 1280, 128>}]} {
    %get3A = arith.constant 0 : index
    %get3A_0 = arith.constant 0 : index
    %get3A_1 = vector.load %arg2[%get3A, %get3A_0] : memref<1280x128xf32, #tpu.memory_space<vmem>>, vector<1280x128xf32>
    %get3A_2 = arith.constant 0 : index
    %get3A_3 = arith.constant 0 : index
    %get3A_4 = vector.load %arg3[%get3A_2, %get3A_3] : memref<128x128xf32, #tpu.memory_space<vmem>>, vector<128x128xf32>
    %dot_general3A = arith.constant dense<0.000000e+00> : vector<1280x128xf32>
    %dot_general3A_5 = tpu.matmul %get3A_1, %get3A_4, %dot_general3A {dimension_numbers = #tpu.dot_dimension_numbers<[1], [0], [0], [1], [0, 0, 1, 1], [], []>, precision = #tpu.contract_precision<fp32>, transpose_lhs_hint = false} : vector<1280x128xf32>, vector<128x128xf32>, vector<1280x128xf32> -> vector<1280x128xf32>
    %get3A_6 = arith.constant 0 : index
    %get3A_7 = arith.constant 0 : index
    %get3A_8 = vector.load %arg4[%get3A_6, %get3A_7] : memref<32x1280xf32, #tpu.memory_space<vmem>>, vector<32x1280xf32>
    %reduce_sum3A = arith.constant dense<0.000000e+00> : vector<1280xf32>
    %reduce_sum3A_9 = vector.multi_reduction <add>, %get3A_8, %reduce_sum3A [0] : vector<32x1280xf32> to vector<1280xf32>
    %add3A = arith.constant 1.000000e+00 : f32
    %add3A_10 = vector.broadcast %add3A : f32 to vector<1280xf32>
    %add3A_11 = arith.addf %reduce_sum3A_9, %add3A_10 : vector<1280xf32>
    %rsqrt3A = math.rsqrt %add3A_11 : vector<1280xf32>
    %broadcast_in_dim3A = vector.shape_cast %rsqrt3A : vector<1280xf32> to vector<1280x1xf32>
    %mul3A = vector.broadcast %broadcast_in_dim3A : vector<1280x1xf32> to vector<1280x128xf32>
    %mul3A_12 = arith.mulf %dot_general3A_5, %mul3A : vector<1280x128xf32>
    %swap3A = arith.constant 0 : index
    %swap3A_13 = arith.constant 0 : index
    %swap3A_14 = vector.load %arg5[%swap3A, %swap3A_13] : memref<1280x128xf32, #tpu.memory_space<vmem>>, vector<1280x128xf32>
    tpu.vector_store %arg5[%swap3A, %swap3A_13], %mul3A_12 {strides = array<i32>} : memref<1280x128xf32, #tpu.memory_space<vmem>>, vector<1280x128xf32>,
    return
  }
  func.func @transform_0(%arg0: i32, %arg1: i32) -> (i32, i32) {
    %c0_i32 = arith.constant 0 : i32
    %c0_i32_0 = arith.constant 0 : i32
    return %arg0, %c0_i32 : i32, i32
  }
  func.func @transform_1(%arg0: i32, %arg1: i32) -> (i32, i32) {
    %c0_i32 = arith.constant 0 : i32
    %c0_i32_0 = arith.constant 0 : i32
    return %c0_i32, %arg1 : i32, i32
  }
  func.func @transform_2(%arg0: i32, %arg1: i32) -> (i32, i32) {
    %c0_i32 = arith.constant 0 : i32
    %c0_i32_0 = arith.constant 0 : i32
    return %c0_i32, %arg0 : i32, i32
  }
  func.func @transform_3(%arg0: i32, %arg1: i32) -> (i32, i32) {
    %mul3A = arith.constant 8 : i32
    %mul3A_0 = arith.muli %arg1, %mul3A : i32
    %add3A = arith.addi %mul3A_0, %arg0 : i32
    %c0_i32 = arith.constant 0 : i32
    %c0_i32_1 = arith.constant 0 : i32
    return %add3A, %c0_i32 : i32, i32
  }
}

module attributes {stable_mosaic.version = 14 : i64} {
  func.func @_pool_body(%arg0: i32, %arg1: memref<1280x128xf32, #tpu.memory_space<vmem>>, %arg2: memref<1280x128xf32, #tpu.memory_space<vmem>>, %arg3: memref<32x1280xf32, #tpu.memory_space<vmem>>, %arg4: memref<1x1x1280xi32, #tpu.memory_space<vmem>>, %arg5: memref<1x128xf32, #tpu.memory_space<vmem>>, %arg6: memref<1x128xf32, #tpu.memory_space<vmem>>, %arg7: memref<512x4xf32, #tpu.memory_space<vmem>>, %arg8: memref<1x4xf32, #tpu.memory_space<vmem>>, %arg9: memref<32x4xf32, #tpu.memory_space<vmem>>, %arg10: memref<32x512xf32, #tpu.memory_space<vmem>>, %arg11: memref<32x128xf32, #tpu.memory_space<vmem>>) attributes {dimension_semantics = [#tpu.dimension_semantics<arbitrary>], iteration_bounds = array<i64: 8>, scalar_prefetch = 0 : i64, scratch_operands = 2 : i64, tpu.core_type = #tpu.core_type<tc>, window_params = [{transform_indices = @transform_0, window_bounds = array<i64: 1280, 128>}, {transform_indices = @transform_1, window_bounds = array<i64: 1280, 128>}, {transform_indices = @transform_2, window_bounds = array<i64: 32, 1280>}, {transform_indices = @transform_3, window_bounds = array<i64: 1, 1, 1280>}, {pipeline_mode = #tpu.pipeline_mode<synchronous>, transform_indices = @transform_4, window_bounds = array<i64: 1, 128>}, {pipeline_mode = #tpu.pipeline_mode<synchronous>, transform_indices = @transform_5, window_bounds = array<i64: 1, 128>}, {pipeline_mode = #tpu.pipeline_mode<synchronous>, transform_indices = @transform_6, window_bounds = array<i64: 512, 4>}, {pipeline_mode = #tpu.pipeline_mode<synchronous>, transform_indices = @transform_7, window_bounds = array<i64: 1, 4>}, {pipeline_mode = #tpu.pipeline_mode<synchronous>, transform_indices = @transform_8, window_bounds = array<i64: 32, 4>}]} {
    %eq3A = arith.constant 0 : i32
    %eq3A_0 = arith.cmpi eq, %arg0, %eq3A : i32
    %convert_element_type3A = arith.extui %eq3A_0 : i1 to i32
    %cond3A = arith.constant 0 : i32
    %cond3A_1 = arith.cmpi ne, %convert_element_type3A, %cond3A : i32
    scf.if %cond3A_1 {
      %broadcast_in_dim3A_65 = arith.constant 0.000000e+00 : f32
      %broadcast_in_dim3A_66 = vector.broadcast %broadcast_in_dim3A_65 : f32 to vector<32x512xf32>
      %swap3A_67 = arith.constant 0 : index
      %swap3A_68 = arith.constant 0 : index
      %swap3A_69 = vector.load %arg10[%swap3A_67, %swap3A_68] : memref<32x512xf32, #tpu.memory_space<vmem>>, vector<32x512xf32>
      tpu.vector_store %arg10[%swap3A_67, %swap3A_68], %broadcast_in_dim3A_66 {strides = array<i32>} : memref<32x512xf32, #tpu.memory_space<vmem>>, vector<32x512xf32>,
      %broadcast_in_dim3A_70 = arith.constant 0.000000e+00 : f32
      %broadcast_in_dim3A_71 = vector.broadcast %broadcast_in_dim3A_70 : f32 to vector<32x128xf32>
      %swap3A_72 = arith.constant 0 : index
      %swap3A_73 = arith.constant 0 : index
      %swap3A_74 = vector.load %arg11[%swap3A_72, %swap3A_73] : memref<32x128xf32, #tpu.memory_space<vmem>>, vector<32x128xf32>
      tpu.vector_store %arg11[%swap3A_72, %swap3A_73], %broadcast_in_dim3A_71 {strides = array<i32>} : memref<32x128xf32, #tpu.memory_space<vmem>>, vector<32x128xf32>,
    } else {
    }
    %get3A = arith.constant 0 : index
    %get3A_2 = arith.constant 0 : index
    %get3A_3 = vector.load %arg3[%get3A, %get3A_2] : memref<32x1280xf32, #tpu.memory_space<vmem>>, vector<32x1280xf32>
    %reduce_sum3A = arith.constant dense<0.000000e+00> : vector<1280xf32>
    %reduce_sum3A_4 = vector.multi_reduction <add>, %get3A_3, %reduce_sum3A [0] : vector<32x1280xf32> to vector<1280xf32>
    %add3A = arith.constant 1.000000e+00 : f32
    %add3A_5 = vector.broadcast %add3A : f32 to vector<1280xf32>
    %add3A_6 = arith.addf %reduce_sum3A_4, %add3A_5 : vector<1280xf32>
    %rsqrt3A = math.rsqrt %add3A_6 : vector<1280xf32>
    %broadcast_in_dim3A = vector.shape_cast %rsqrt3A : vector<1280xf32> to vector<1280x1xf32>
    %get3A_7 = arith.constant 0 : index
    %get3A_8 = arith.constant 0 : index
    %get3A_9 = vector.load %arg1[%get3A_7, %get3A_8] : memref<1280x128xf32, #tpu.memory_space<vmem>>, vector<1280x128xf32>
    %mul3A = vector.broadcast %broadcast_in_dim3A : vector<1280x1xf32> to vector<1280x128xf32>
    %mul3A_10 = arith.mulf %get3A_9, %mul3A : vector<1280x128xf32>
    %get3A_11 = arith.constant 0 : index
    %get3A_12 = arith.constant 0 : index
    %get3A_13 = vector.load %arg5[%get3A_11, %get3A_12] : memref<1x128xf32, #tpu.memory_space<vmem>>, vector<1x128xf32>
    %add3A_14 = vector.broadcast %get3A_13 : vector<1x128xf32> to vector<1280x128xf32>
    %add3A_15 = arith.addf %mul3A_10, %add3A_14 : vector<1280x128xf32>
    %get3A_16 = arith.constant 0 : index
    %get3A_17 = arith.constant 0 : index
    %get3A_18 = vector.load %arg2[%get3A_16, %get3A_17] : memref<1280x128xf32, #tpu.memory_space<vmem>>, vector<1280x128xf32>
    %mul3A_19 = vector.broadcast %broadcast_in_dim3A : vector<1280x1xf32> to vector<1280x128xf32>
    %mul3A_20 = arith.mulf %get3A_18, %mul3A_19 : vector<1280x128xf32>
    %get3A_21 = arith.constant 0 : index
    %get3A_22 = arith.constant 0 : index
    %get3A_23 = vector.load %arg6[%get3A_21, %get3A_22] : memref<1x128xf32, #tpu.memory_space<vmem>>, vector<1x128xf32>
    %add3A_24 = vector.broadcast %get3A_23 : vector<1x128xf32> to vector<1280x128xf32>
    %add3A_25 = arith.addf %mul3A_20, %add3A_24 : vector<1280x128xf32>
    %max3A = arith.constant 0.000000e+00 : f32
    %max3A_26 = vector.broadcast %max3A : f32 to vector<1280x128xf32>
    %max3A_27 = arith.maximumf %add3A_15, %max3A_26 : vector<1280x128xf32>
    %max3A_28 = arith.constant 0.000000e+00 : f32
    %max3A_29 = vector.broadcast %max3A_28 : f32 to vector<1280x128xf32>
    %max3A_30 = arith.maximumf %add3A_25, %max3A_29 : vector<1280x128xf32>
    %concatenate3A = tpu.concatenate %max3A_27, %add3A_15, %max3A_30, %add3A_25 in 1 : vector<1280x128xf32>, vector<1280x128xf32>, vector<1280x128xf32>, vector<1280x128xf32> -> vector<1280x512xf32>
    %iota3A = tpu.iota {dimensions = array<i32: 0>} : vector<32x1xi32>
    %get3A_31 = arith.constant 0 : index
    %get3A_32 = arith.constant 0 : index
    %get3A_33 = arith.constant 0 : index
    %get3A_34 = vector.load %arg4[%get3A_31, %get3A_32, %get3A_33] : memref<1x1x1280xi32, #tpu.memory_space<vmem>>, vector<1x1x1280xi32>
    %get3A_35 = vector.shape_cast %get3A_34 : vector<1x1x1280xi32> to vector<1x1280xi32>
    %eq3A_36 = vector.broadcast %get3A_35 : vector<1x1280xi32> to vector<32x1280xi32>
    %eq3A_37 = vector.broadcast %iota3A : vector<32x1xi32> to vector<32x1280xi32>
    %eq3A_38 = arith.cmpi eq, %eq3A_36, %eq3A_37 : vector<32x1280xi32>
    %convert_element_type3A_39 = arith.extui %eq3A_38 : vector<32x1280xi1> to vector<32x1280xi32>
    %convert_element_type3A_40 = arith.sitofp %convert_element_type3A_39 : vector<32x1280xi32> to vector<32x1280xf32>
    %get3A_41 = arith.constant 0 : index
    %get3A_42 = arith.constant 0 : index
    %get3A_43 = vector.load %arg10[%get3A_41, %get3A_42] : memref<32x512xf32, #tpu.memory_space<vmem>>, vector<32x512xf32>
    %dot_general3A = arith.constant dense<0.000000e+00> : vector<32x512xf32>
    %dot_general3A_44 = tpu.matmul %convert_element_type3A_40, %concatenate3A, %dot_general3A {dimension_numbers = #tpu.dot_dimension_numbers<[1], [0], [0], [1], [0, 0, 1, 1], [], []>, precision = #tpu.contract_precision<fp32>, transpose_lhs_hint = false} : vector<32x1280xf32>, vector<1280x512xf32>, vector<32x512xf32> -> vector<32x512xf32>
    %add3A_45 = arith.addf %get3A_43, %dot_general3A_44 : vector<32x512xf32>
    %swap3A = arith.constant 0 : index
    %swap3A_46 = arith.constant 0 : index
    %swap3A_47 = vector.load %arg10[%swap3A, %swap3A_46] : memref<32x512xf32, #tpu.memory_space<vmem>>, vector<32x512xf32>
    tpu.vector_store %arg10[%swap3A, %swap3A_46], %add3A_45 {strides = array<i32>} : memref<32x512xf32, #tpu.memory_space<vmem>>, vector<32x512xf32>,
    %get3A_48 = arith.constant 0 : index
    %get3A_49 = arith.constant 0 : index
    %get3A_50 = vector.load %arg11[%get3A_48, %get3A_49] : memref<32x128xf32, #tpu.memory_space<vmem>>, vector<32x128xf32>
    %reduce_sum3A_51 = arith.constant dense<0.000000e+00> : vector<32xf32>
    %reduce_sum3A_52 = vector.multi_reduction <add>, %convert_element_type3A_40, %reduce_sum3A_51 [1] : vector<32x1280xf32> to vector<32xf32>
    %broadcast_in_dim3A_53 = vector.shape_cast %reduce_sum3A_52 : vector<32xf32> to vector<32x1xf32>
    %broadcast_in_dim3A_54 = vector.shape_cast %broadcast_in_dim3A_53 : vector<32x1xf32> to vector<32x1xf32>
    %broadcast_in_dim3A_55 = vector.broadcast %broadcast_in_dim3A_54 : vector<32x1xf32> to vector<32x128xf32>
    %add3A_56 = arith.addf %get3A_50, %broadcast_in_dim3A_55 : vector<32x128xf32>
    %swap3A_57 = arith.constant 0 : index
    %swap3A_58 = arith.constant 0 : index
    %swap3A_59 = vector.load %arg11[%swap3A_57, %swap3A_58] : memref<32x128xf32, #tpu.memory_space<vmem>>, vector<32x128xf32>
    tpu.vector_store %arg11[%swap3A_57, %swap3A_58], %add3A_56 {strides = array<i32>} : memref<32x128xf32, #tpu.memory_space<vmem>>, vector<32x128xf32>,
    %eq3A_60 = arith.constant 7 : i32
    %eq3A_61 = arith.cmpi eq, %arg0, %eq3A_60 : i32
    %convert_element_type3A_62 = arith.extui %eq3A_61 : i1 to i32
    %cond3A_63 = arith.constant 0 : i32
    %cond3A_64 = arith.cmpi ne, %convert_element_type3A_62, %cond3A_63 : i32
    scf.if %cond3A_64 {
      %get3A_65 = arith.constant 0 : index
      %get3A_66 = arith.constant 0 : index
      %get3A_67 = vector.load %arg11[%get3A_65, %get3A_66] : memref<32x128xf32, #tpu.memory_space<vmem>>, vector<32x1xf32>
      %max3A_68 = arith.constant 1.000000e+00 : f32
      %max3A_69 = vector.broadcast %max3A_68 : f32 to vector<32x1xf32>
      %max3A_70 = arith.maximumf %get3A_67, %max3A_69 : vector<32x1xf32>
      %get3A_71 = arith.constant 0 : index
      %get3A_72 = arith.constant 0 : index
      %get3A_73 = vector.load %arg10[%get3A_71, %get3A_72] : memref<32x512xf32, #tpu.memory_space<vmem>>, vector<32x512xf32>
      %div3A = vector.broadcast %max3A_70 : vector<32x1xf32> to vector<32x512xf32>
      %div3A_74 = arith.divf %get3A_73, %div3A : vector<32x512xf32>
      %get3A_75 = arith.constant 0 : index
      %get3A_76 = arith.constant 0 : index
      %get3A_77 = vector.load %arg7[%get3A_75, %get3A_76] : memref<512x4xf32, #tpu.memory_space<vmem>>, vector<512x4xf32>
      %dot_general3A_78 = arith.constant dense<0.000000e+00> : vector<32x4xf32>
      %dot_general3A_79 = tpu.matmul %div3A_74, %get3A_77, %dot_general3A_78 {dimension_numbers = #tpu.dot_dimension_numbers<[1], [0], [0], [1], [0, 0, 1, 1], [], []>, precision = #tpu.contract_precision<fp32>, transpose_lhs_hint = false} : vector<32x512xf32>, vector<512x4xf32>, vector<32x4xf32> -> vector<32x4xf32>
      %get3A_80 = arith.constant 0 : index
      %get3A_81 = arith.constant 0 : index
      %get3A_82 = vector.load %arg8[%get3A_80, %get3A_81] : memref<1x4xf32, #tpu.memory_space<vmem>>, vector<1x4xf32>
      %add3A_83 = vector.broadcast %get3A_82 : vector<1x4xf32> to vector<32x4xf32>
      %add3A_84 = arith.addf %dot_general3A_79, %add3A_83 : vector<32x4xf32>
      %reduce_max3A = arith.constant dense<0xFF800000> : vector<32xf32>
      %reduce_max3A_85 = vector.multi_reduction <maximumf>, %add3A_84, %reduce_max3A [1] : vector<32x4xf32> to vector<32xf32>
      %broadcast_in_dim3A_86 = vector.shape_cast %reduce_max3A_85 : vector<32xf32> to vector<32x1xf32>
      %sub3A = vector.broadcast %broadcast_in_dim3A_86 : vector<32x1xf32> to vector<32x4xf32>
      %sub3A_87 = arith.subf %add3A_84, %sub3A : vector<32x4xf32>
      %exp3A = math.exp %sub3A_87 : vector<32x4xf32>
      %reduce_sum3A_88 = arith.constant dense<0.000000e+00> : vector<32xf32>
      %reduce_sum3A_89 = vector.multi_reduction <add>, %exp3A, %reduce_sum3A_88 [1] : vector<32x4xf32> to vector<32xf32>
      %broadcast_in_dim3A_90 = vector.shape_cast %reduce_sum3A_89 : vector<32xf32> to vector<32x1xf32>
      %log3A = math.log %broadcast_in_dim3A_90 : vector<32x1xf32>
      %add3A_91 = arith.addf %log3A, %broadcast_in_dim3A_86 : vector<32x1xf32>
      %sub3A_92 = vector.broadcast %add3A_91 : vector<32x1xf32> to vector<32x4xf32>
      %sub3A_93 = arith.subf %add3A_84, %sub3A_92 : vector<32x4xf32>
      %swap3A_94 = arith.constant 0 : index
      %swap3A_95 = arith.constant 0 : index
      %swap3A_96 = vector.load %arg9[%swap3A_94, %swap3A_95] : memref<32x4xf32, #tpu.memory_space<vmem>>, vector<32x4xf32>
      tpu.vector_store %arg9[%swap3A_94, %swap3A_95], %sub3A_93 {strides = array<i32>} : memref<32x4xf32, #tpu.memory_space<vmem>>, vector<32x4xf32>,
    } else {
    }
    return
  }
  func.func @transform_0(%arg0: i32) -> (i32, i32) {
    %c0_i32 = arith.constant 0 : i32
    %c0_i32_0 = arith.constant 0 : i32
    return %arg0, %c0_i32 : i32, i32
  }
  func.func @transform_1(%arg0: i32) -> (i32, i32) {
    %add3A = arith.constant 8 : i32
    %add3A_0 = arith.addi %arg0, %add3A : i32
    %c0_i32 = arith.constant 0 : i32
    %c0_i32_1 = arith.constant 0 : i32
    return %add3A_0, %c0_i32 : i32, i32
  }
  func.func @transform_2(%arg0: i32) -> (i32, i32) {
    %c0_i32 = arith.constant 0 : i32
    %c0_i32_0 = arith.constant 0 : i32
    return %c0_i32, %arg0 : i32, i32
  }
  func.func @transform_3(%arg0: i32) -> (i32, i32, i32) {
    %c0_i32 = arith.constant 0 : i32
    %c0_i32_0 = arith.constant 0 : i32
    %c0_i32_1 = arith.constant 0 : i32
    return %arg0, %c0_i32, %c0_i32_0 : i32, i32, i32
  }
  func.func @transform_4(%arg0: i32) -> (i32, i32) {
    %c0_i32 = arith.constant 0 : i32
    %c0_i32_0 = arith.constant 0 : i32
    %c0_i32_1 = arith.constant 0 : i32
    return %c0_i32, %c0_i32_0 : i32, i32
  }
  func.func @transform_5(%arg0: i32) -> (i32, i32) {
    %c0_i32 = arith.constant 0 : i32
    %c0_i32_0 = arith.constant 0 : i32
    %c0_i32_1 = arith.constant 0 : i32
    return %c0_i32, %c0_i32_0 : i32, i32
  }
  func.func @transform_6(%arg0: i32) -> (i32, i32) {
    %c0_i32 = arith.constant 0 : i32
    %c0_i32_0 = arith.constant 0 : i32
    %c0_i32_1 = arith.constant 0 : i32
    return %c0_i32, %c0_i32_0 : i32, i32
  }
  func.func @transform_7(%arg0: i32) -> (i32, i32) {
    %c0_i32 = arith.constant 0 : i32
    %c0_i32_0 = arith.constant 0 : i32
    %c0_i32_1 = arith.constant 0 : i32
    return %c0_i32, %c0_i32_0 : i32, i32
  }
  func.func @transform_8(%arg0: i32) -> (i32, i32) {
    %c0_i32 = arith.constant 0 : i32
    %c0_i32_0 = arith.constant 0 : i32
    %c0_i32_1 = arith.constant 0 : i32
    return %c0_i32, %c0_i32_0 : i32, i32
  }
}

</mosaic_0001>

<sc_bundles>
// kernel: kernel.6.cloned.1.call-start
scs
__scs_entry_jumppad:
0x0: {  	(pc) =	sbr.rel $0x88, $3  }
0x1: {  	(tag) =	ssettag $0x0;
	lr =	simm.s32 $0x1  }
0x2: {  	[smem:$0x3F98] =	sst lr;
	_ =	strace $0xD0000000  }
0x3: {  	_ = 	snop  }
0x4: {  	_ = 	snop  }
0x5: {  	_ = 	snop  }
0x6: {  	_ = 	snop  }
0x7: {  	_ = 	snop  }
__scs_overlays_trampoline_lowered:
0x8: {  	[smem:$0x3FA7] =	sst s0  }
0x9: {  	[smem:$0x3FA8] =	sst s1  }
0xa: {  	[smem:$0x3FA9] =	sst s2  }
0xb: {  	[smem:$0x3FAA] =	sst s3  }
0xc: {  	[smem:$0x3FAB] =	sst s4  }
0xd: {  	[smem:$0x3FAC] =	sst s5  }
0xe: {  	[smem:$0x3FAD] =	sst s6  }
0xf: {  	[smem:$0x3FAE] =	sst s7  }
0x10: {  	[smem:$0x3FAF] =	sst s8  }
0x11: {  	[smem:$0x3FB0] =	sst s9;
	s0 =	simm.s32 @!p0 $0x0  }
0x12: {  	s1 =	sld [smem:$0x3F96];
	s0 =	simm.s32 @p0 $0x1  }
0x13: {  	[smem:$0x3FB1] =	sst s0;
	s0 =	simm.s32 @!p1 $0x0  }
0x14: {  	s2 =	sld [smem:$0x3F95];
	s0 =	simm.s32 @p1 $0x1  }
0x15: {  	[smem:$0x3FB2] =	sst s0;
	s0 =	simm.s32 @!p2 $0x0  }
0x16: {  	s3 =	sld [smem:$0x3FDB];
	s0 =	simm.s32 @p2 $0x1  }
0x17: {  	s4 =	simm.s32 $0x1BF5;
	[smem:$0x3FB4] =	sst s0  }
0x18: {  	s0 =	sld [smem:$0x3F97];
	_ =	swait.ge [sflag:s4], $0x0  }
0x19: {  	s7 =	sld [smem:$0x3F98]  }
0x1a: {  	s8 =	sadd.s32 $0xFFFFE003, lr  }
0x1b: {  	s9 =	sadd.s32 $0xFFFFFEF7, lr;
	s5 =	simm.s32 $0xFFFFFFFF;
	p2 =	slt.u32 s8, $0xFFFFF086  }
0x1c: {  	p1 =	slt.u32 s9, $0xF7A;
	s5 =	simm.s32 @!p2 $0x0  }
0x1d: {  	s5 =	simm.s32 @p1 $0x1;
	p0 =	seq.s32 s7, s2  }
0x1e: {  	s7 =	smul.u32 @!p0 $0xF7A, s2;
	p2 =	seq.s32 @!p0 s5, $0x0  }
0x1f: {  	s9 =	smul.u32 $0xF7A, s1;
	s8 =	simm.s32 @!p0 $0x1BF5;
	p2 =	por !p2, p0  }
0x20: {  	[sflag:s8] =	ssyncset.s32 @!p0 $0xFFFFF086;
	s6 =	sadd.s32 @!p0 s3, s7;
	s7 =	simm.s32 @!p0 $0x108  }
0x21: {  	s3 =	sadd.s32 s3, s9;
	s6 =	sadd.s32 @!p0 $0x88, s6;
	s7 =	simm.s32 @p2 $0x1082  }
0x22: {  	[simem:s7], [sflag:s8] =	dma.local @!p0 [hbm:s6], $0xF7A  }
0x23: {  	s9 =	sor.u32 $0xD0000000, s2;
	s6 =	simm.s32 $0x108;
	_ =	swait.ge @!p0 [sflag:s8], $0x0  }
0x24: {  	s3 =	sadd.s32 $0x88, s3;
	s6 =	simm.s32 @!p1 $0x1082;
	[sflag:s4] =	ssyncset.s32 $0xFFFFF086  }
0x25: {  	[simem:s6], [sflag:s4] =	dma.local [hbm:s3], $0xF7A  }
0x26: {  	[smem:$0x3F98] =	sst s1;
	(tag) =	ssettag s2;
	_ =	strace s9  }
0x27: {  	s1 =	sld [smem:$0x3FA8]  }
0x28: {  	s2 =	sld [smem:$0x3FA9]  }
0x29: {  	s4 =	sld [smem:$0x3FAB]  }
0x2a: {  	p0 =	seq.s32 s5, $0x0;
	s5 =	sld [smem:$0x3FAC]  }
0x2b: {  	s6 =	sld [smem:$0x3FAD]  }
0x2c: {  	s7 =	sld [smem:$0x3FAE]  }
0x2d: {  	s3 =	simm.s32 $0x108;
	s8 =	sld [smem:$0x3FAF]  }
0x2e: {  	s3 =	simm.s32 @!p0 $0x1082;
	s9 =	sld [smem:$0x3FB0]  }
0x2f: {  	lr =	sadd.s32 s0, s3;
	s0 =	sld [smem:$0x3FA7]  }
0x30: {  	s3 =	sld [smem:$0x3FAA]  }
0x31: {  	[smem:$0x3FB3] =	sst s10  }
0x32: {  	s10 =	sld [smem:$0x3FB1];
	_ =	sdelay $0x3  }
0x33: {  	p0 =	seq.s32 s10, $0x1;
	s10 =	sld [smem:$0x3FB3];
	_ =	sdelay $0x3  }
0x34: {  	[smem:$0x3FB3] =	sst s10  }
0x35: {  	s10 =	sld [smem:$0x3FB2];
	_ =	sdelay $0x3  }
0x36: {  	p1 =	seq.s32 s10, $0x1;
	s10 =	sld [smem:$0x3FB3];
	_ =	sdelay $0x3  }
0x37: {  	[smem:$0x3FB3] =	sst s10  }
0x38: {  	s10 =	sld [smem:$0x3FB4]  }
0x39: {  	_ = 	snop;
	(pc) =	sbr.ind lr, $3  }
0x3a: {  	_ = 	snop  }
0x3b: {  	_ = 	snop  }
0x3c: {  	p2 =	seq.s32 s10, $0x1;
	s10 =	sld [smem:$0x3FB3]  }
0x3d: {  	_ =	shalt  }
0x3e: {  	_ =	shalt  }
0x3f: {  	_ =	shalt  }
0x40: {  	_ =	shalt  }
0x41: {  	_ =	shalt  }
0x42: {  	_ =	shalt  }
0x43: {  	_ =	shalt  }
0x44: {  	_ =	shalt  }
0x45: {  	_ =	shalt  }
0x46: {  	_ =	shalt  }
0x47: {  	_ =	shalt  }
0x48: {  	_ =	shalt  }
0x49: {  	_ =	shalt  }
0x4a: {  	_ =	shalt  }
0x4b: {  	_ =	shalt  }
0x4c: {  	_ =	shalt  }
0x4d: {  	_ =	shalt  }
0x4e: {  	_ =	shalt  }
0x4f: {  	_ =	shalt  }
0x50: {  	_ =	shalt  }
0x51: {  	_ =	shalt  }
0x52: {  	_ =	shalt  }
0x53: {  	_ =	shalt  }
0x54: {  	_ =	shalt  }
0x55: {  	_ =	shalt  }
0x56: {  	_ =	shalt  }
0x57: {  	_ =	shalt  }
0x58: {  	_ =	shalt  }
0x59: {  	_ =	shalt  }
0x5a: {  	_ =	shalt  }
0x5b: {  	_ =	shalt  }
0x5c: {  	_ =	shalt  }
0x5d: {  	_ =	shalt  }
0x5e: {  	_ =	shalt  }
0x5f: {  	_ =	shalt  }
0x60: {  	_ =	shalt  }
0x61: {  	_ =	shalt  }
0x62: {  	_ =	shalt  }
0x63: {  	_ =	shalt  }
0x64: {  	_ =	shalt  }
0x65: {  	_ =	shalt  }
0x66: {  	_ =	shalt  }
0x67: {  	_ =	shalt  }
0x68: {  	_ =	shalt  }
0x69: {  	_ =	shalt  }
0x6a: {  	_ =	shalt  }
0x6b: {  	_ =	shalt  }
0x6c: {  	_ =	shalt  }
0x6d: {  	_ =	shalt  }
0x6e: {  	_ =	shalt  }
0x6f: {  	_ =	shalt  }
0x70: {  	_ =	shalt  }
0x71: {  	_ =	shalt  }
0x72: {  	_ =	shalt  }
0x73: {  	_ =	shalt  }
0x74: {  	_ =	shalt  }
0x75: {  	_ =	shalt  }
0x76: {  	_ =	shalt  }
0x77: {  	_ =	shalt  }
0x78: {  	_ =	shalt  }
0x79: {  	_ =	shalt  }
0x7a: {  	_ =	shalt  }
0x7b: {  	_ =	shalt  }
0x7c: {  	_ =	shalt  }
0x7d: {  	_ =	shalt  }
0x7e: {  	_ =	shalt  }
0x7f: {  	_ =	shalt  }
0x80: {  	_ =	shalt  }
0x81: {  	_ =	shalt  }
0x82: {  	_ =	shalt  }
0x83: {  	_ =	shalt  }
0x84: {  	_ =	shalt  }
0x85: {  	_ =	shalt  }
0x86: {  	_ =	shalt  }
0x87: {  	_ =	shalt  }
.Lfunc_end0:
.L_simem_size_0:
called_computation_lowered:
.L_overlay_start_0:
0x88: {  	s2 =	sld [smem:$0x3FD9]  }
0x89: {  	s3 =	sld [smem:$0x3FFE];
	_ =	sdelay $0x1  }
0x8a: {  	s1 =	srdreg.scid  }
0x8b: {  	s0 =	sand.u32 $0x1, s1  }
0x8c: {  	s16 =	sshll.u32 s0, $0xA;
	s2 =	sadd.s32 s3, s2  }
0x8d: {  	s2 =	sadd.s32 s2, s16  }
0x8e: {  	[smem:$0x3FBF] =	sst s2  }
0x8f: {  	_ = 	snop  }
0x90: {  	(tm) =	ssettm $0x1  }
0x91: {  	s17 =	sld [smem:$0x3FFB];
	_ =	sdelay $0x3  }
0x92: {  	_ =	strace s17  }
0x93: {  	s2 =	sld [smem:$0x3FFC];
	_ =	sdelay $0x3  }
0x94: {  	_ =	strace s2  }
0x95: {  	s2 =	sld [smem:$0x3FFD];
	_ =	sdelay $0x3  }
0x96: {  	_ =	strace s2  }
0x97: {  	_ =	strace $0x8FFFFFFF  }
0x98: {  	s18 =	sld [smem:$0x3FDB];
	_ =	sdelay $0x1  }
0x99: {  	s19 =	simm.s32 $_scs_section_size  }
0x9a: {  	s4 =	simm.s32 $_size__tile_overlayer_lowered;
	s5 =	simm.s32 $_tile_overlayer_lowered  }
0x9b: {  	s22 =	simm.s32 $0x1BFF;
	s21 =	sshll.u32 s5, $0x1;
	s2 =	sadd.s32 s19, s18  }
0x9c: {  	s6 =	simm.s32 $0x0;
	s20 =	sshll.u32 s4, $0x1;
	s4 =	sadd.s32 s21, s2  }
0x9d: {  	[timem:s6], [sflag:s22] =	dma.local [hbm:s4], s20  }
0x9e: {  	_ =	swait.ge [sflag:s22], s20  }
0x9f: {  	s3 =	ssub.s32 $0x0, s20;
	[sflag:s22] =	ssyncset.done $0x0  }
0xa0: {  	[sflag:s22] =	ssyncadd.s32 s3;
	_ =	sdelay $0x1  }
0xa1: {  	s23 =	simm.s32 $0x1B8B  }
0xa2: {  	_ =	swait.ge [sflag:s23], $0x1  }
0xa3: {  	[sflag:s23] =	ssyncset.done $0x0  }
0xa4: {  	s25 =	simm.s32 $0x1B8E;
	s24 =	sld [smem:$0x3FFE];
	[sflag:s23] =	ssyncadd.s32 $0xFFFFFFFF  }
0xa5: {  	s26 =	simm.s32 $execute0_lowered;
	[smem:$0x3FD2] =	sst s25  }
0xa6: {  	s4 =	sshll.u32 s26, $0x1;
	_ =	strace $0x80000046;
	[dreg:$0x1] =	wrdreg $0xFFFFFFFF  }
0xa7: {  	s28 =	simm.s32 $_size_execute0_lowered;
	s2 =	sadd.s32 s2, s4;
	[dreg:$0x0] =	wrdreg $0x0  }
0xa8: {  	s4 =	sshll.u32 s28, $0x1;
	[dreg:$0x2] =	wrdreg s2  }
0xa9: {  	[dreg:$0x3] =	wrdreg s4  }
0xaa: {  	[dreg:$0x4] =	wrdreg $0xC0  }
0xab: {  	_ =	task [dreg:s6], $0x5FFFF  }
0xac: {  	[dreg:$0x1] =	wrdreg $0xFFFFFFFF  }
0xad: {  	[dreg:$0x0] =	wrdreg $0x60  }
0xae: {  	[dreg:$0x2] =	wrdreg s24  }
0xaf: {  	[dreg:$0x3] =	wrdreg $0x9  }
0xb0: {  	_ =	task.clear_ibuf [dreg:s6], $0x4FFFF;
	_ =	strace $0x90000046  }
0xb1: {  	s29 =	simm.s32 $0x9;
	_ =	strace $0x80000048  }
0xb2: {  	_ =	swait.ge [sflag:s29], $0x1  }
0xb3: {  	[sflag:s29] =	ssyncadd.s32 $0xFFFFFFFF  }
0xb4: {  	_ =	strace $0x90000048  }
0xb5: {  	_ =	sfence  }
0xb6: {  	s30 =	sld [smem:$0x0];
	_ =	sdelay $0x2  }
0xb7: {  	s31 =	sshll.u32 s1, $0xD;
	s1 =	sshrl.u32 s1, $0x2  }
0xb8: {  	s3 =	sand.u32 $0x4000, s31;
	s1 =	sadd.s32 s1, s30  }
0xb9: {  	s0 =	sor.u32 s3, s0;
	s1 =	sshll.u32 s1, $0x11  }
0xba: {  	s0 =	sor.u32 s1, s0  }
0xbb: {  	s0 =	sadd.s32 $0x8F2B, s0  }
0xbc: {  	[sflag:s0] =	ssyncadd.remote.s32 $0x1  }
0xbd: {  	_ =	sfence.sel $0xFFFF  }
0xbe: {  	[dreg:$0x0] =	wrdreg $0xFFFFFFFF;
	(pc) =	sbr.abs _section_cstart, $3  }
0xbf: {  	[dreg:$0x1] =	wrdreg $0xFFFFFFFF  }
0xc0: {  	_ =	task.clear_ibuf [dreg:s6], $0x2FFFF;
	_ =	strace $0x9FFFFFFF  }
0xc1: {  	(tm) =	ssettm $0x7FFFFFFF  }
tec
execute0_lowered:
.L_overlay_start_1:
0x0: {  	(tag) =	ssettag $0x1  }
0x1: {  	s1 =	srdreg.scid;
	s0 =	stileid.u32  }
0x2: {  	s4 =	rddreg [dreg:$0x0];
	s3 =	sand.u32 $0x1, s1;
	s30 =	sshll.u32 s0, $0x1  }
0x3: {  	s2 =	simm.s32 $0x0;
	s8 =	simm.s32 $0x0;
	s5 =	sor.u32 s3, s30  }
0x4: {  	s1 =	rddreg [dreg:$0x1];
	s3 =	ssub.s32 $0x2, s3;
	s6 =	smul.u32 $0x4E2, s5  }
0x5: {  	[smem:$0x7FF] =	sst s2;
	s5 =	smul.u32 $0x500, s5;
	s7 =	sshrl.u32 s3, $0x1  }
0x6: {  	_ =	strace $0x80000047;
	s31 =	ssub.s32 s3, s7;
	s7 =	simm.s32 $0x2780  }
0x7: {  	s6 =	sadd.s32 s6, s4;
	s4 =	sadd.s32 s5, s4;
	s5 =	smax.u32 s31, $0x1  }
0x8: {  	v0 =	vimm.f32 $0.0e+00;
	v1 =	vimm.f32 $1.000000000e+00;
	s3 =	sadd.s32 $0x1C00, s6;
	s4 =	sadd.s32 $0xBA00, s4;
	s6 =	simm.s32 $0x1  }
.LBB2_1:
0x9: {  	[tilespmem:s2], [sflag:$0x1] =	stream.linear.gather [hbm4b:s3+s2], $0x2710, $0x38;
	[tilespmem:$0x4F80] =	vst v63  }
0xa: {  	_ =	swait.ge [sflag:s6], $0x2710  }
0xb: {  	[sflag:s6] =	ssyncset.done $0x0  }
0xc: {  	s9 =	simm.s32 $0x0;
	[sflag:s6] =	ssyncadd.s32 $0xFFFFD8F0  }
.LBB2_2:
0xd: {  	p0 =	sne.s32 s9, $0x9FC0  }
.Ltmp0:
0xe: {  	_ = 	snop;
	(pc) =	sbr.rel @p0 .LBB2_2-.Ltmp0, $3  }
0xf: {  	_ =	sdelay $0x1  }
0x10: {  	s10 =	sshra.s32 s9, $0x2  }
0x11: {  	s9 =	sadd.s32 $0x40, s9;
	[tilespmem:s10+$0x2780] =	vst v0  }
0x12: {  	s10 =	simm.s32 $0x0;
	s9 =	simm.s32 $0x40  }
.LBB2_4:
0x13: {  	p0 =	sne.s32 s9, $0x9C00;
	v2 =	vld [tilespmem:s10+$0x0];
	_ =	sdelay $0x3  }
.Ltmp1:
0x14: {  	(pc) =	sbr.rel @p0 .LBB2_4-.Ltmp1, $2  }
0x15: {  	_ =	sdelay $0x2  }
0x16: {  	s10 =	sshra.s32 s9, $0x2;
	s9 =	sadd.s32 $0x40, s9;
	[tilespmem:v2+s7+$0x0] =	vst.idx.add.f32.msk $0xffff, v1  }
0x17: {  	v2 =	vld [tilespmem:s10+$0x0];
	_ =	sdelay $0x5  }
0x18: {  	s8 =	sadd.s32 $0x1, s8  }
0x19: {  	p0 =	sne.s32 s8, s5  }
.Ltmp2:
0x1a: {  	[tilespmem:v2+s7+$0x0] =	vst.idx.add.f32.msk $0xffff, v1;
	(pc) =	sbr.rel @p0 .LBB2_1-.Ltmp2, $4  }
0x1b: {  	[hbm4b:s4+s2] =	stream.linear.scatter [tilespmem:s7], [sflag:$0x1], $0x2800, $0x38;
	[tilespmem:$0x4F80] =	vst v63  }
0x1c: {  	_ =	swait.ge [sflag:s6], $0x2800  }
0x1d: {  	[sflag:s6] =	ssyncset.done $0x0  }
0x1e: {  	[sflag:s6] =	ssyncadd.s32 $0xFFFFD800  }
0x1f: {  	_ =	sfence.sel $0x180000  }
0x20: {  	[bflag:$0x0] =	sbarrier.arrive $0xFFFF  }
0x21: {  	p0 =	sne.s32 s0, $0x0;
	_ =	strace $0x90000047  }
0x22: {  	s0 =	sadd.s32 @!p0 $0x100000, s1;
	[bflag:$0x2] =	sbarrier.arrive $0xFFFF  }
0x23: {  	[sflag:s0] =	ssyncadd.tile.s32 @!p0 $0x1;
	_ =	shalt  }
.Lfunc_end2:
_tile_overlayer_lowered:
.L_overlay_start_2:
0x24: {  	(tag) =	ssettag $0x2  }
0x25: {  	s0 =	rddreg [dreg:$0x0];
	s2 =	stileid.u32  }
0x26: {  	s1 =	rddreg [dreg:$0x1];
	p0 =	sne.s32 s2, $0x0  }
0x27: {  	s3 =	rddreg [dreg:$0x2];
	[bflag:$0x3] =	sbarrier.arrive $0xFFFF;
	s2 =	simm.s32 @!p0 $0x1C01  }
0x28: {  	[timem:s3], [sflag:s2] =	dma.local @!p0 [hbm:s0], s1  }
0x29: {  	s0 =	simm.s32 @!p0 $0x1  }
0x2a: {  	_ =	swait.ge @!p0 [sflag:s0], s1  }
0x2b: {  	s1 =	ssub.s32 @!p0 $0x0, s1;
	[sflag:s0] =	ssyncset.done @!p0 $0x0  }
0x2c: {  	[sflag:s0] =	ssyncadd.s32 @!p0 s1  }
0x2d: {  	[bflag:$0x3] =	sbarrier.arrive $0xFFFF  }
0x2e: {  	_ =	shalt  }

// kernel: kernel.9.cloned.1.call-start
scs
__scs_entry_jumppad:
0x0: {  	(pc) =	sbr.rel $0x88, $3  }
0x1: {  	(tag) =	ssettag $0x0;
	lr =	simm.s32 $0x1  }
0x2: {  	[smem:$0x3F98] =	sst lr;
	_ =	strace $0xD0000000  }
0x3: {  	_ = 	snop  }
0x4: {  	_ = 	snop  }
0x5: {  	_ = 	snop  }
0x6: {  	_ = 	snop  }
0x7: {  	_ = 	snop  }
__scs_overlays_trampoline_lowered:
0x8: {  	[smem:$0x3FA7] =	sst s0  }
0x9: {  	[smem:$0x3FA8] =	sst s1  }
0xa: {  	[smem:$0x3FA9] =	sst s2  }
0xb: {  	[smem:$0x3FAA] =	sst s3  }
0xc: {  	[smem:$0x3FAB] =	sst s4  }
0xd: {  	[smem:$0x3FAC] =	sst s5  }
0xe: {  	[smem:$0x3FAD] =	sst s6  }
0xf: {  	[smem:$0x3FAE] =	sst s7  }
0x10: {  	[smem:$0x3FAF] =	sst s8  }
0x11: {  	[smem:$0x3FB0] =	sst s9;
	s0 =	simm.s32 @!p0 $0x0  }
0x12: {  	s1 =	sld [smem:$0x3F96];
	s0 =	simm.s32 @p0 $0x1  }
0x13: {  	[smem:$0x3FB1] =	sst s0;
	s0 =	simm.s32 @!p1 $0x0  }
0x14: {  	s2 =	sld [smem:$0x3F95];
	s0 =	simm.s32 @p1 $0x1  }
0x15: {  	[smem:$0x3FB2] =	sst s0;
	s0 =	simm.s32 @!p2 $0x0  }
0x16: {  	s3 =	sld [smem:$0x3FDB];
	s0 =	simm.s32 @p2 $0x1  }
0x17: {  	s4 =	simm.s32 $0x1BF5;
	[smem:$0x3FB4] =	sst s0  }
0x18: {  	s0 =	sld [smem:$0x3F97];
	_ =	swait.ge [sflag:s4], $0x0  }
0x19: {  	s7 =	sld [smem:$0x3F98]  }
0x1a: {  	s8 =	sadd.s32 $0xFFFFE003, lr  }
0x1b: {  	s9 =	sadd.s32 $0xFFFFFEF7, lr;
	s5 =	simm.s32 $0xFFFFFFFF;
	p2 =	slt.u32 s8, $0xFFFFF086  }
0x1c: {  	p1 =	slt.u32 s9, $0xF7A;
	s5 =	simm.s32 @!p2 $0x0  }
0x1d: {  	s5 =	simm.s32 @p1 $0x1;
	p0 =	seq.s32 s7, s2  }
0x1e: {  	s7 =	smul.u32 @!p0 $0xF7A, s2;
	p2 =	seq.s32 @!p0 s5, $0x0  }
0x1f: {  	s9 =	smul.u32 $0xF7A, s1;
	s8 =	simm.s32 @!p0 $0x1BF5;
	p2 =	por !p2, p0  }
0x20: {  	[sflag:s8] =	ssyncset.s32 @!p0 $0xFFFFF086;
	s6 =	sadd.s32 @!p0 s3, s7;
	s7 =	simm.s32 @!p0 $0x108  }
0x21: {  	s3 =	sadd.s32 s3, s9;
	s6 =	sadd.s32 @!p0 $0x88, s6;
	s7 =	simm.s32 @p2 $0x1082  }
0x22: {  	[simem:s7], [sflag:s8] =	dma.local @!p0 [hbm:s6], $0xF7A  }
0x23: {  	s9 =	sor.u32 $0xD0000000, s2;
	s6 =	simm.s32 $0x108;
	_ =	swait.ge @!p0 [sflag:s8], $0x0  }
0x24: {  	s3 =	sadd.s32 $0x88, s3;
	s6 =	simm.s32 @!p1 $0x1082;
	[sflag:s4] =	ssyncset.s32 $0xFFFFF086  }
0x25: {  	[simem:s6], [sflag:s4] =	dma.local [hbm:s3], $0xF7A  }
0x26: {  	[smem:$0x3F98] =	sst s1;
	(tag) =	ssettag s2;
	_ =	strace s9  }
0x27: {  	s1 =	sld [smem:$0x3FA8]  }
0x28: {  	s2 =	sld [smem:$0x3FA9]  }
0x29: {  	s4 =	sld [smem:$0x3FAB]  }
0x2a: {  	p0 =	seq.s32 s5, $0x0;
	s5 =	sld [smem:$0x3FAC]  }
0x2b: {  	s6 =	sld [smem:$0x3FAD]  }
0x2c: {  	s7 =	sld [smem:$0x3FAE]  }
0x2d: {  	s3 =	simm.s32 $0x108;
	s8 =	sld [smem:$0x3FAF]  }
0x2e: {  	s3 =	simm.s32 @!p0 $0x1082;
	s9 =	sld [smem:$0x3FB0]  }
0x2f: {  	lr =	sadd.s32 s0, s3;
	s0 =	sld [smem:$0x3FA7]  }
0x30: {  	s3 =	sld [smem:$0x3FAA]  }
0x31: {  	[smem:$0x3FB3] =	sst s10  }
0x32: {  	s10 =	sld [smem:$0x3FB1];
	_ =	sdelay $0x3  }
0x33: {  	p0 =	seq.s32 s10, $0x1;
	s10 =	sld [smem:$0x3FB3];
	_ =	sdelay $0x3  }
0x34: {  	[smem:$0x3FB3] =	sst s10  }
0x35: {  	s10 =	sld [smem:$0x3FB2];
	_ =	sdelay $0x3  }
0x36: {  	p1 =	seq.s32 s10, $0x1;
	s10 =	sld [smem:$0x3FB3];
	_ =	sdelay $0x3  }
0x37: {  	[smem:$0x3FB3] =	sst s10  }
0x38: {  	s10 =	sld [smem:$0x3FB4]  }
0x39: {  	_ = 	snop;
	(pc) =	sbr.ind lr, $3  }
0x3a: {  	_ = 	snop  }
0x3b: {  	_ = 	snop  }
0x3c: {  	p2 =	seq.s32 s10, $0x1;
	s10 =	sld [smem:$0x3FB3]  }
0x3d: {  	_ =	shalt  }
0x3e: {  	_ =	shalt  }
0x3f: {  	_ =	shalt  }
0x40: {  	_ =	shalt  }
0x41: {  	_ =	shalt  }
0x42: {  	_ =	shalt  }
0x43: {  	_ =	shalt  }
0x44: {  	_ =	shalt  }
0x45: {  	_ =	shalt  }
0x46: {  	_ =	shalt  }
0x47: {  	_ =	shalt  }
0x48: {  	_ =	shalt  }
0x49: {  	_ =	shalt  }
0x4a: {  	_ =	shalt  }
0x4b: {  	_ =	shalt  }
0x4c: {  	_ =	shalt  }
0x4d: {  	_ =	shalt  }
0x4e: {  	_ =	shalt  }
0x4f: {  	_ =	shalt  }
0x50: {  	_ =	shalt  }
0x51: {  	_ =	shalt  }
0x52: {  	_ =	shalt  }
0x53: {  	_ =	shalt  }
0x54: {  	_ =	shalt  }
0x55: {  	_ =	shalt  }
0x56: {  	_ =	shalt  }
0x57: {  	_ =	shalt  }
0x58: {  	_ =	shalt  }
0x59: {  	_ =	shalt  }
0x5a: {  	_ =	shalt  }
0x5b: {  	_ =	shalt  }
0x5c: {  	_ =	shalt  }
0x5d: {  	_ =	shalt  }
0x5e: {  	_ =	shalt  }
0x5f: {  	_ =	shalt  }
0x60: {  	_ =	shalt  }
0x61: {  	_ =	shalt  }
0x62: {  	_ =	shalt  }
0x63: {  	_ =	shalt  }
0x64: {  	_ =	shalt  }
0x65: {  	_ =	shalt  }
0x66: {  	_ =	shalt  }
0x67: {  	_ =	shalt  }
0x68: {  	_ =	shalt  }
0x69: {  	_ =	shalt  }
0x6a: {  	_ =	shalt  }
0x6b: {  	_ =	shalt  }
0x6c: {  	_ =	shalt  }
0x6d: {  	_ =	shalt  }
0x6e: {  	_ =	shalt  }
0x6f: {  	_ =	shalt  }
0x70: {  	_ =	shalt  }
0x71: {  	_ =	shalt  }
0x72: {  	_ =	shalt  }
0x73: {  	_ =	shalt  }
0x74: {  	_ =	shalt  }
0x75: {  	_ =	shalt  }
0x76: {  	_ =	shalt  }
0x77: {  	_ =	shalt  }
0x78: {  	_ =	shalt  }
0x79: {  	_ =	shalt  }
0x7a: {  	_ =	shalt  }
0x7b: {  	_ =	shalt  }
0x7c: {  	_ =	shalt  }
0x7d: {  	_ =	shalt  }
0x7e: {  	_ =	shalt  }
0x7f: {  	_ =	shalt  }
0x80: {  	_ =	shalt  }
0x81: {  	_ =	shalt  }
0x82: {  	_ =	shalt  }
0x83: {  	_ =	shalt  }
0x84: {  	_ =	shalt  }
0x85: {  	_ =	shalt  }
0x86: {  	_ =	shalt  }
0x87: {  	_ =	shalt  }
.Lfunc_end0:
.L_simem_size_0:
called_computation.1_lowered:
.L_overlay_start_0:
0x88: {  	s2 =	sld [smem:$0x3FD9]  }
0x89: {  	s3 =	sld [smem:$0x3FFE];
	_ =	sdelay $0x1  }
0x8a: {  	s1 =	srdreg.scid  }
0x8b: {  	s0 =	sand.u32 $0x1, s1  }
0x8c: {  	s16 =	sshll.u32 s0, $0xA;
	s2 =	sadd.s32 s3, s2  }
0x8d: {  	s2 =	sadd.s32 s2, s16  }
0x8e: {  	[smem:$0x3FBF] =	sst s2  }
0x8f: {  	_ = 	snop  }
0x90: {  	(tm) =	ssettm $0x1  }
0x91: {  	s17 =	sld [smem:$0x3FFB];
	_ =	sdelay $0x3  }
0x92: {  	_ =	strace s17  }
0x93: {  	s2 =	sld [smem:$0x3FFC];
	_ =	sdelay $0x3  }
0x94: {  	_ =	strace s2  }
0x95: {  	s2 =	sld [smem:$0x3FFD];
	_ =	sdelay $0x3  }
0x96: {  	_ =	strace s2  }
0x97: {  	_ =	strace $0x8FFFFFFF  }
0x98: {  	s18 =	sld [smem:$0x3FDB];
	_ =	sdelay $0x1  }
0x99: {  	s19 =	simm.s32 $_scs_section_size  }
0x9a: {  	s4 =	simm.s32 $_size__tile_overlayer_lowered;
	s5 =	simm.s32 $_tile_overlayer_lowered  }
0x9b: {  	s22 =	simm.s32 $0x1BFF;
	s21 =	sshll.u32 s5, $0x1;
	s2 =	sadd.s32 s19, s18  }
0x9c: {  	s6 =	simm.s32 $0x0;
	s20 =	sshll.u32 s4, $0x1;
	s4 =	sadd.s32 s21, s2  }
0x9d: {  	[timem:s6], [sflag:s22] =	dma.local [hbm:s4], s20  }
0x9e: {  	_ =	swait.ge [sflag:s22], s20  }
0x9f: {  	s3 =	ssub.s32 $0x0, s20;
	[sflag:s22] =	ssyncset.done $0x0  }
0xa0: {  	[sflag:s22] =	ssyncadd.s32 s3;
	_ =	sdelay $0x1  }
0xa1: {  	s23 =	simm.s32 $0x1B8B  }
0xa2: {  	_ =	swait.ge [sflag:s23], $0x1  }
0xa3: {  	[sflag:s23] =	ssyncset.done $0x0  }
0xa4: {  	s25 =	simm.s32 $0x1B8E;
	s24 =	sld [smem:$0x3FFE];
	[sflag:s23] =	ssyncadd.s32 $0xFFFFFFFF  }
0xa5: {  	s26 =	simm.s32 $execute0_lowered;
	[smem:$0x3FD2] =	sst s25  }
0xa6: {  	s4 =	sshll.u32 s26, $0x1;
	_ =	strace $0x80000049;
	[dreg:$0x1] =	wrdreg $0xFFFFFFFF  }
0xa7: {  	s28 =	simm.s32 $_size_execute0_lowered;
	s2 =	sadd.s32 s2, s4;
	[dreg:$0x0] =	wrdreg $0x0  }
0xa8: {  	s4 =	sshll.u32 s28, $0x1;
	[dreg:$0x2] =	wrdreg s2  }
0xa9: {  	[dreg:$0x3] =	wrdreg s4  }
0xaa: {  	[dreg:$0x4] =	wrdreg $0xC0  }
0xab: {  	_ =	task [dreg:s6], $0x5FFFF  }
0xac: {  	[dreg:$0x1] =	wrdreg $0xFFFFFFFF  }
0xad: {  	[dreg:$0x0] =	wrdreg $0x60  }
0xae: {  	[dreg:$0x2] =	wrdreg s24  }
0xaf: {  	[dreg:$0x3] =	wrdreg $0x7C000  }
0xb0: {  	[dreg:$0x4] =	wrdreg $0x9  }
0xb1: {  	_ =	task.clear_ibuf [dreg:s6], $0x5FFFF;
	_ =	strace $0x90000049  }
0xb2: {  	s29 =	simm.s32 $0x9;
	_ =	strace $0x8000004B  }
0xb3: {  	_ =	swait.ge [sflag:s29], $0x1  }
0xb4: {  	[sflag:s29] =	ssyncadd.s32 $0xFFFFFFFF  }
0xb5: {  	_ =	strace $0x9000004B  }
0xb6: {  	_ =	sfence  }
0xb7: {  	s30 =	sld [smem:$0x0];
	_ =	sdelay $0x2  }
0xb8: {  	s31 =	sshll.u32 s1, $0xD;
	s1 =	sshrl.u32 s1, $0x2  }
0xb9: {  	s3 =	sand.u32 $0x4000, s31;
	s1 =	sadd.s32 s1, s30  }
0xba: {  	s0 =	sor.u32 s3, s0;
	s1 =	sshll.u32 s1, $0x11  }
0xbb: {  	s0 =	sor.u32 s1, s0  }
0xbc: {  	s0 =	sadd.s32 $0x8F2B, s0  }
0xbd: {  	[sflag:s0] =	ssyncadd.remote.s32 $0x1  }
0xbe: {  	_ =	sfence.sel $0xFFFF  }
0xbf: {  	[dreg:$0x0] =	wrdreg $0xFFFFFFFF;
	(pc) =	sbr.abs _section_cstart, $3  }
0xc0: {  	[dreg:$0x1] =	wrdreg $0xFFFFFFFF  }
0xc1: {  	_ =	task.clear_ibuf [dreg:s6], $0x2FFFF;
	_ =	strace $0x9FFFFFFF  }
0xc2: {  	(tm) =	ssettm $0x7FFFFFFF  }
0xc3: {  	_ =	shalt  }
tec
execute0_lowered:
.L_overlay_start_1:
0x0: {  	(tag) =	ssettag $0x1  }
0x1: {  	s7 =	rddreg [dreg:$0x0]  }
0x2: {  	s1 =	rddreg [dreg:$0x1]  }
0x3: {  	s2 =	srdreg.scid;
	s3 =	simm.s32 $0x0;
	s16 =	simm.s32 $0x1000  }
0x4: {  	s17 =	simm.s32 $0x50;
	s18 =	simm.s32 $0x2C00;
	s19 =	simm.s32 $0x5400  }
0x5: {  	s20 =	simm.s32 $0x1;
	s21 =	simm.s32 $0x2;
	s22 =	simm.s32 $0xF50  }
0x6: {  	s23 =	simm.s32 $0x2800;
	s8 =	sand.u32 $0x1, s2;
	s2 =	stileid.u32  }
0x7: {  	s24 =	simm.s32 $0x2880;
	[smem:$0x7FF] =	sst s3;
	s9 =	smul.u32 $0x2800, s8  }
0x8: {  	s4 =	sadd.s32 $0x3AC00, s7;
	s5 =	sadd.s32 $0x27200, s7;
	s10 =	smul.u32 $0x280, s2  }
0x9: {  	s6 =	sadd.s32 $0x15A00, s7;
	_ =	strace $0x8000004A;
	s11 =	smul.u32 $0x50000, s2  }
0xa: {  	s28 =	ssub.s32 $0x2, s8;
	s13 =	smul.u32 $0x4E200, s8;
	s25 =	sshll.u32 s2, $0x6  }
0xb: {  	s31 =	smul.u32 $0x4E20, s2;
	s29 =	sshrl.u32 s28, $0x1;
	s8 =	sor.u32 $0x1C03, s25  }
0xc: {  	s25 =	sor.u32 $0x1C04, s25;
	s9 =	sadd.s32 s10, s9;
	s14 =	ssub.s32 s28, s29  }
0xd: {  	s30 =	sshrl.u32 s11, $0x2;
	s10 =	smul.u32 $0x5, s2;
	s9 =	sshll.u32 s9, $0x4  }
0xe: {  	s15 =	sadd.s32 s30, s1;
	s12 =	sadd.s32 s9, s7;
	s7 =	sadd.s32 s4, s9  }
0xf: {  	s9 =	sadd.s32 s31, s13;
	s13 =	sshrl.u32 s15, $0x3;
	s15 =	simm.s32 $0x4  }
0x10: {  	s11 =	sadd.s32 $0x8AC00, s12;
	s12 =	smax.u32 s14, $0x1;
	s14 =	simm.s32 $0x3  }
.LBB2_1:
0x11: {  	[spmem:s13], [sflag:s8] =	dma.local [hbm:s7], $0x2800  }
0x12: {  	_ =	swait.ge [sflag:s14], $0x2800  }
0x13: {  	[sflag:s14] =	ssyncset.done $0x0  }
0x14: {  	[sflag:s14] =	ssyncadd.s32 $0xFFFFD800  }
0x15: {  	s26 =	simm.s32 $0x0;
	[bflag:$0x0] =	sbarrier.arrive $0xFFFF  }
.LBB2_2:
0x16: {  	s28 =	smul.u32 $0xFA0, s26;
	_ =	sdelay $0x1  }
0x17: {  	s28 =	sadd.s32 s28, s9  }
0x18: {  	s28 =	sshrl.u32 s28, $0x3  }
0x19: {  	s29 =	simm.s32 $0x0;
	s28 =	sadd.s32 s5, s28  }
0x1a: {  	[tilespmem:s29], [sflag:$0x4] =	stream.linear.gather [hbm4b:s28+s29], $0xFA0, $0x38;
	[tilespmem:$0x1BC00] =	vst v63  }
0x1b: {  	s28 =	sadd.s32 s10, s26  }
0x1c: {  	_ =	swait.ge [sflag:s15], $0xFA0;
	s28 =	smul.u32 $0x380, s28  }
0x1d: {  	[sflag:s15] =	ssyncset.done $0x0  }
0x1e: {  	[sflag:s15] =	ssyncadd.s32 $0xFFFFF060;
	s28 =	sadd.s32 s6, s28  }
0x1f: {  	[tilespmem:s16], [sflag:$0x4] =	stream.linear.gather [hbm4b:s28+s29], $0x1900, $0x38;
	[tilespmem:$0x1BC00] =	vst v63  }
0x20: {  	_ =	swait.ge [sflag:s15], $0x1900  }
0x21: {  	[sflag:s15] =	ssyncset.done $0x0  }
0x22: {  	[sflag:s15] =	ssyncadd.s32 $0xFFFFE700  }
0x23: {  	[tilespmem:s18], [sflag:$0x1] =	stream.indirect.gather [hbm4b:s4+s17], $0x80, s29, s17, $0xb8;
	[tilespmem:$0x1BC00] =	vst v63  }
0x24: {  	s28 =	simm.s32 $0x50  }
0x25: {  	[tilespmem:s19], [sflag:$0x2] =	stream.indirect.gather [hbm4b:s4+s17], $0x80, s28, s17, $0xb8;
	[tilespmem:$0x1BC00] =	vst v63  }
0x26: {  	_ =	swait.ge [sflag:s20], $0x2800  }
0x27: {  	[sflag:s20] =	ssyncset.done $0x0  }
0x28: {  	s28 =	simm.s32 $0x1000;
	[sflag:s20] =	ssyncadd.s32 $0xFFFFD800  }
0x29: {  	[spmem:s1] =	stream.indirect.scatter.add.f32 [tilespmem:s18], [sflag:$0x4], $0x80, s28, s17, $0xb8;
	[tilespmem:$0x1BC00] =	vst v63  }
0x2a: {  	_ =	swait.ge [sflag:s15], $0x2800  }
0x2b: {  	[sflag:s15] =	ssyncset.done $0x0  }
0x2c: {  	s28 =	simm.s32 $0xA0;
	[sflag:s15] =	ssyncadd.s32 $0xFFFFD800  }
0x2d: {  	[tilespmem:s18], [sflag:$0x1] =	stream.indirect.gather [hbm4b:s4+s17], $0x80, s28, s17, $0xb8;
	[tilespmem:$0x1BC00] =	vst v63  }
0x2e: {  	_ =	swait.ge [sflag:s21], $0x2800  }
0x2f: {  	[sflag:s21] =	ssyncset.done $0x0  }
0x30: {  	s28 =	simm.s32 $0x1080;
	[sflag:s21] =	ssyncadd.s32 $0xFFFFD800  }
0x31: {  	[spmem:s1] =	stream.indirect.scatter.add.f32 [tilespmem:s19], [sflag:$0x4], $0x80, s28, s17, $0xb8;
	[tilespmem:$0x1BC00] =	vst v63  }
0x32: {  	s30 =	simm.s32 $0x800;
	_ =	swait.ge [sflag:s15], $0x2800  }
0x33: {  	s29 =	simm.s32 $0x400;
	s28 =	simm.s32 $0x140;
	[sflag:s15] =	ssyncset.done $0x0  }
.LBB2_3:
0x34: {  	p0 =	sne.s32 s30, $0x5C00;
	s31 =	sadd.s32 $0xFFFFFFB0, s28;
	[sflag:s15] =	ssyncadd.s32 $0xFFFFD800  }
0x35: {  	[tilespmem:s19], [sflag:$0x2] =	stream.indirect.gather [hbm4b:s4+s17], $0x80, s31, s17, $0xb8;
	[tilespmem:$0x1BC00] =	vst v63  }
0x36: {  	s31 =	smov.u32 s30;
	s30 =	sadd.s32 $0x400, s30;
	_ =	swait.ge [sflag:s20], $0x2800  }
0x37: {  	s0 =	sshra.s32 s29, $0x2;
	s29 =	smov.u32 s31;
	[sflag:s20] =	ssyncset.done $0x0  }
0x38: {  	s31 =	sadd.s32 $0x1000, s0;
	[sflag:s20] =	ssyncadd.s32 $0xFFFFD800  }
0x39: {  	[spmem:s1] =	stream.indirect.scatter.add.f32 [tilespmem:s18], [sflag:$0x4], $0x80, s31, s17, $0xb8;
	[tilespmem:$0x1BC00] =	vst v63  }
0x3a: {  	_ =	swait.ge [sflag:s15], $0x2800  }
0x3b: {  	[sflag:s15] =	ssyncset.done $0x0  }
0x3c: {  	[sflag:s15] =	ssyncadd.s32 $0xFFFFD800  }
0x3d: {  	[tilespmem:s18], [sflag:$0x1] =	stream.indirect.gather [hbm4b:s4+s17], $0x80, s28, s17, $0xb8;
	[tilespmem:$0x1BC00] =	vst v63  }
0x3e: {  	_ =	swait.ge [sflag:s21], $0x2800  }
.Ltmp0:
0x3f: {  	[sflag:s21] =	ssyncset.done $0x0;
	(pc) =	sbr.rel @p0 .LBB2_3-.Ltmp0, $4  }
0x40: {  	s0 =	sadd.s32 $0x1080, s0;
	[sflag:s21] =	ssyncadd.s32 $0xFFFFD800  }
0x41: {  	[spmem:s1] =	stream.indirect.scatter.add.f32 [tilespmem:s19], [sflag:$0x4], $0x80, s0, s17, $0xb8;
	[tilespmem:$0x1BC00] =	vst v63  }
0x42: {  	_ =	swait.ge [sflag:s15], $0x2800  }
0x43: {  	s28 =	sadd.s32 $0xA0, s28;
	[sflag:s15] =	ssyncset.done $0x0  }
0x44: {  	s0 =	sadd.s32 $0xFFFFFFB0, s28;
	[sflag:s15] =	ssyncadd.s32 $0xFFFFD800  }
0x45: {  	[tilespmem:s19], [sflag:$0x2] =	stream.indirect.gather [hbm4b:s4+s17], $0x80, s0, s17, $0xb8;
	[tilespmem:$0x1BC00] =	vst v63  }
0x46: {  	_ =	swait.ge [sflag:s20], $0x2800  }
0x47: {  	s31 =	sshra.s32 s29, $0x2;
	[sflag:s20] =	ssyncset.done $0x0  }
0x48: {  	s29 =	sadd.s32 $0x1000, s31;
	[sflag:s20] =	ssyncadd.s32 $0xFFFFD800  }
0x49: {  	[spmem:s1] =	stream.indirect.scatter.add.f32 [tilespmem:s18], [sflag:$0x4], $0x80, s29, s17, $0xb8;
	[tilespmem:$0x1BC00] =	vst v63  }
0x4a: {  	_ =	swait.ge [sflag:s15], $0x2800  }
0x4b: {  	[sflag:s15] =	ssyncset.done $0x0  }
0x4c: {  	[sflag:s15] =	ssyncadd.s32 $0xFFFFD800  }
0x4d: {  	[tilespmem:s18], [sflag:$0x1] =	stream.indirect.gather [hbm4b:s4+s17], $0x80, s28, s17, $0xb8;
	[tilespmem:$0x1BC00] =	vst v63  }
0x4e: {  	_ =	swait.ge [sflag:s21], $0x2800  }
0x4f: {  	[sflag:s21] =	ssyncset.done $0x0  }
0x50: {  	s0 =	sadd.s32 $0x1080, s31;
	[sflag:s21] =	ssyncadd.s32 $0xFFFFD800  }
0x51: {  	[spmem:s1] =	stream.indirect.scatter.add.f32 [tilespmem:s19], [sflag:$0x4], $0x80, s0, s17, $0xb8;
	[tilespmem:$0x1BC00] =	vst v63  }
0x52: {  	_ =	swait.ge [sflag:s15], $0x2800  }
0x53: {  	[sflag:s15] =	ssyncset.done $0x0  }
0x54: {  	[sflag:s15] =	ssyncadd.s32 $0xFFFFD800  }
0x55: {  	[tilespmem:s19], [sflag:$0x2] =	stream.indirect.gather [hbm4b:s4+s17], $0x80, s22, s17, $0xb8;
	[tilespmem:$0x1BC00] =	vst v63  }
0x56: {  	_ =	swait.ge [sflag:s20], $0x2800  }
0x57: {  	[sflag:s20] =	ssyncset.done $0x0  }
0x58: {  	[sflag:s20] =	ssyncadd.s32 $0xFFFFD800  }
0x59: {  	[spmem:s1] =	stream.indirect.scatter.add.f32 [tilespmem:s18], [sflag:$0x4], $0x80, s23, s17, $0xb8;
	[tilespmem:$0x1BC00] =	vst v63  }
0x5a: {  	_ =	swait.ge [sflag:s15], $0x2800  }
0x5b: {  	[sflag:s15] =	ssyncset.done $0x0  }
0x5c: {  	[sflag:s15] =	ssyncadd.s32 $0xFFFFD800  }
0x5d: {  	s26 =	sadd.s32 $0x1, s26;
	_ =	swait.ge [sflag:s21], $0x2800  }
0x5e: {  	p0 =	sne.s32 s26, $0x5;
	[sflag:s21] =	ssyncset.done $0x0  }
.Ltmp1:
0x5f: {  	[sflag:s21] =	ssyncadd.s32 $0xFFFFD800;
	(pc) =	sbr.rel @p0 .LBB2_2-.Ltmp1, $4  }
0x60: {  	[spmem:s1] =	stream.indirect.scatter.add.f32 [tilespmem:s19], [sflag:$0x4], $0x80, s24, s17, $0xb8;
	[tilespmem:$0x1BC00] =	vst v63  }
0x61: {  	_ =	swait.ge [sflag:s15], $0x2800  }
0x62: {  	[sflag:s15] =	ssyncset.done $0x0  }
0x63: {  	[sflag:s15] =	ssyncadd.s32 $0xFFFFD800  }
0x64: {  	s3 =	sadd.s32 $0x1, s3  }
0x65: {  	p0 =	sne.s32 s3, s12  }
.Ltmp2:
0x66: {  	[bflag:$0x0] =	sbarrier.arrive $0xFFFF;
	(pc) =	sbr.rel @p0 .LBB2_1-.Ltmp2, $4  }
0x67: {  	[hbm:s11], [sflag:s25] =	dma.local [spmem:s13], $0x2800  }
0x68: {  	_ =	swait.ge [sflag:s15], $0x2800  }
0x69: {  	[sflag:s15] =	ssyncset.done $0x0  }
0x6a: {  	[sflag:s15] =	ssyncadd.s32 $0xFFFFD800  }
0x6b: {  	_ =	sfence.sel $0x180000  }
0x6c: {  	[bflag:$0x0] =	sbarrier.arrive $0xFFFF  }
0x6d: {  	_ =	strace $0x9000004A  }
0x6e: {  	[bflag:$0x2] =	sbarrier.arrive $0xFFFF  }
0x6f: {  	p0 =	sne.s32 s2, $0x0;
	s0 =	rddreg [dreg:$0x2]  }
0x70: {  	s0 =	sadd.s32 @!p0 $0x100000, s0  }
0x71: {  	[sflag:s0] =	ssyncadd.tile.s32 @!p0 $0x1;
	_ =	shalt  }
.Lfunc_end2:
_tile_overlayer_lowered:
.L_overlay_start_2:
0x72: {  	(tag) =	ssettag $0x2  }
0x73: {  	s0 =	rddreg [dreg:$0x0];
	s2 =	stileid.u32  }
0x74: {  	s1 =	rddreg [dreg:$0x1];
	p0 =	sne.s32 s2, $0x0  }
0x75: {  	s3 =	rddreg [dreg:$0x2];
	[bflag:$0x3] =	sbarrier.arrive $0xFFFF;
	s2 =	simm.s32 @!p0 $0x1C04  }
0x76: {  	[timem:s3], [sflag:s2] =	dma.local @!p0 [hbm:s0], s1  }
0x77: {  	s0 =	simm.s32 @!p0 $0x4  }
0x78: {  	_ =	swait.ge @!p0 [sflag:s0], s1  }
0x79: {  	s1 =	ssub.s32 @!p0 $0x0, s1;
	[sflag:s0] =	ssyncset.done @!p0 $0x0  }
0x7a: {  	[sflag:s0] =	ssyncadd.s32 @!p0 s1  }
0x7b: {  	[bflag:$0x3] =	sbarrier.arrive $0xFFFF  }
0x7c: {  	_ =	shalt  }

</sc_bundles>
